<compile_context>
chip_gen: v7x
topology: tpu7x:2x2x1
jax: 0.10.2.dev20260603
libtpu: 0.0.44.dev20260713+nightly
codegen_flags: <defaults>
</compile_context>

<pallas_src>
import functools

import jax
import jax.numpy as jnp
from jax import lax
from jax.experimental import pallas as pl
from jax.experimental.pallas import tpu as pltpu
from jax.experimental.pallas import tpu_sc as plsc

_LANES = 16
_N = 256
_TABLE = 1024
_LO = -3.0
_WIDTH = 6.0 / _TABLE
_SCALE = _TABLE / 6.0


@functools.lru_cache(maxsize=None)
def _make_sc_quantize(batch: int):
    try:
        info = plsc.get_sparse_core_info()
        num_cores, num_subcores = info.num_cores, info.num_subcores
    except Exception:
        num_cores, num_subcores = 2, 16
    num_workers = num_cores * num_subcores
    assert batch % (num_workers * _LANES) == 0
    b_per_w = batch // num_workers
    widths = []
    w = _N // 2
    while w >= 1:
        widths.append(w)
        w //= 2

    mesh = plsc.VectorSubcoreMesh(
        core_axis_name="c",
        subcore_axis_name="s",
        num_cores=num_cores,
        num_subcores=num_subcores,
    )

    @functools.partial(
        pl.kernel,
        out_type=jax.ShapeDtypeStruct((batch,), jnp.float32),
        mesh=mesh,
        scratch_types=[
            pltpu.VMEM((b_per_w,), jnp.float32),
            pltpu.VMEM((b_per_w,), jnp.float32),
            pltpu.VMEM((_N + _LANES,), jnp.float32),
            pltpu.VMEM((_N,), jnp.float32),
            pltpu.VMEM((_TABLE,), jnp.float32),
            pltpu.VMEM((_TABLE,), jnp.float32),
            pltpu.VMEM((_TABLE,), jnp.float32),
            pltpu.SemaphoreType.DMA,
            pltpu.SemaphoreType.DMA,
        ],
        compiler_params=pltpu.CompilerParams(needs_layout_passes=False),
    )
    def quantize(
        x_hbm, centers_hbm, out_hbm,
        x_v, o_v, cen_v, bnd_v, bval_v, clo_v, chi_v, sem_in, sem_c,
    ):
        wid = lax.axis_index("s") * num_cores + lax.axis_index("c")
        base = wid * b_per_w
        in_copy = pltpu.async_copy(x_hbm.at[pl.ds(base, b_per_w)], x_v, sem_in)
        c_copy = pltpu.async_copy(centers_hbm, cen_v.at[pl.ds(0, _N)], sem_c)

        lane = lax.iota(jnp.int32, _LANES)
        c_copy.wait()

        @plsc.parallel_loop(0, _N // _LANES, 1, unroll=4)
        def _(j):
            lo = cen_v[pl.ds(j * _LANES, _LANES)]
            hi = plsc.load_gather(cen_v, [lane + (j * _LANES + 1)])
            mid = (lo + hi) * 0.5
            mid = jnp.where(
                lane + j * _LANES == _N - 1, jnp.full((_LANES,), jnp.inf, jnp.float32), mid
            )
            bnd_v[pl.ds(j * _LANES, _LANES)] = mid

        @plsc.parallel_loop(0, _TABLE // _LANES, 1, unroll=8)
        def _(j):
            g = (j * _LANES + lane).astype(jnp.float32) * _WIDTH + _LO
            pos = jnp.zeros((_LANES,), jnp.int32)
            for w in widths:
                mv = plsc.load_gather(bnd_v, [pos + (w - 1)])
                pos = jnp.where(mv < g, pos + w, pos)
            bval_v[pl.ds(j * _LANES, _LANES)] = plsc.load_gather(bnd_v, [pos])
            clo_v[pl.ds(j * _LANES, _LANES)] = plsc.load_gather(cen_v, [pos])
            chi_v[pl.ds(j * _LANES, _LANES)] = plsc.load_gather(cen_v, [pos + 1])

        in_copy.wait()

        @plsc.parallel_loop(0, b_per_w // _LANES, 1, unroll=8)
        def _(i):
            x = x_v[pl.ds(i * _LANES, _LANES)]
            t = jnp.clip(((x - _LO) * _SCALE).astype(jnp.int32), 0, _TABLE - 1)
            bv = plsc.load_gather(bval_v, [t])
            clo = plsc.load_gather(clo_v, [t])
            chi = plsc.load_gather(chi_v, [t])
            o_v[pl.ds(i * _LANES, _LANES)] = jnp.where(bv < x, chi, clo)

        pltpu.sync_copy(o_v, out_hbm.at[pl.ds(base, b_per_w)])

    return quantize


def kernel(sample, centers):
    x = sample.reshape(-1)
    c = centers.reshape(-1)
    out = _make_sc_quantize(x.shape[0])(x, c)
    return out.reshape(-1, 1)

# --- scband reference (transcript-rebuilt; emitter-appended) ---
"""Pipeline reference for scband-gaussian-ptq-19954418057863 (READ-ONLY COPY).

The authoritative reference and input builder live on the scoring server;
editing this copy changes nothing except your own understanding.
"""

import jax, jax.numpy as jnp
import numpy as np

N_LEVELS = 256


def _build_centers(n):
    # Faithful reproduction of GaussianPTQ.__init__: bins at standard-normal quantiles,
    # centers are midpoints of consecutive bins with -3.0 / 3.0 endpoints.
    qs = jnp.arange(1, n, dtype=jnp.float64) / n
    bins = jnp.sqrt(2.0) * jax.scipy.special.erfinv(2.0 * qs - 1.0)  # icdf of N(0,1)
    mids = (bins[:-1] + bins[1:]) / 2.0
    centers = jnp.concatenate([jnp.array([-3.0], dtype=jnp.float64), mids, jnp.array([3.0], dtype=jnp.float64)])
    return centers.astype(jnp.float32)[None, :]  # [1, n]


def setup_inputs(seed: int = 0) -> dict:
    key = jax.random.key(seed)
    sample = jax.random.normal(key, (262144, 1), dtype=jnp.float32)
    centers = _build_centers(N_LEVELS)
    return {"sample": sample, "centers": centers}


def reference(sample, centers):
    # encode(): nearest-center quantization
    index = jnp.argmin(jnp.abs(centers - sample), axis=1)            # [B]
    received = jnp.take(centers, index, axis=1).reshape(-1, 1)       # [B, 1]
    return received

if __name__ == "__main__":
    import jax
    _d = setup_inputs()
    print(jax.jit(kernel)(*tuple(_d.values())))

</pallas_src>

<mosaic_0001>
#map = affine_map<(d0, d1) -> (0)>
module attributes {stable_mosaic.version = 14 : i64} {
  func.func @quantize(%arg0: i32, %arg1: i32, %arg2: memref<262144xf32, #tpu.memory_space<hbm>>, %arg3: memref<256xf32, #tpu.memory_space<hbm>>, %arg4: memref<262144xf32, #tpu.memory_space<hbm>>, %arg5: memref<8192xf32, #tpu.memory_space<vmem>>, %arg6: memref<8192xf32, #tpu.memory_space<vmem>>, %arg7: memref<272xf32, #tpu.memory_space<vmem>>, %arg8: memref<256xf32, #tpu.memory_space<vmem>>, %arg9: memref<1024xf32, #tpu.memory_space<vmem>>, %arg10: memref<1024xf32, #tpu.memory_space<vmem>>, %arg11: memref<1024xf32, #tpu.memory_space<vmem>>, %arg12: memref<!tpu.dma_semaphore, #tpu.memory_space<semaphore_mem>>, %arg13: memref<!tpu.dma_semaphore, #tpu.memory_space<semaphore_mem>>) attributes {dimension_semantics = [#tpu.dimension_semantics<core_parallel>, #tpu.dimension_semantics<subcore_parallel>], iteration_bounds = array<i64: 2, 16>, scalar_prefetch = 0 : i64, scratch_operands = 9 : i64, tpu.core_type = #tpu.core_type<sc_vector_subcore>, window_params = [{transform_indices = #map}, {transform_indices = #map}, {transform_indices = #map}]} {
    %mul3A = arith.constant 2 : i32
    %mul3A_0 = arith.muli %arg1, %mul3A : i32
    %add3A = arith.addi %mul3A_0, %arg0 : i32
    %mul3A_1 = arith.constant 8192 : i32
    %mul3A_2 = arith.muli %add3A, %mul3A_1 : i32
    %dma_start3A = tpu.memref_slice %arg2[%mul3A_2] : memref<262144xf32, #tpu.memory_space<hbm>> -> memref<8192xf32, #tpu.memory_space<hbm>>
    %dma_start3A_3 = tpu.memref_slice %arg2[%mul3A_2] : memref<262144xf32, #tpu.memory_space<hbm>> -> memref<8192xf32, #tpu.memory_space<hbm>>
    tpu.enqueue_dma source(%dma_start3A_3 : memref<8192xf32, #tpu.memory_space<hbm>>) target(%arg5 : memref<8192xf32, #tpu.memory_space<vmem>>) target_semaphore(%arg12 : memref<!tpu.dma_semaphore, #tpu.memory_space<semaphore_mem>>)
    %dma_start3A_4 = arith.constant 0 : i32
    %dma_start3A_5 = tpu.memref_slice %arg7[%dma_start3A_4] : memref<272xf32, #tpu.memory_space<vmem>> -> memref<256xf32, #tpu.memory_space<vmem>>
    %dma_start3A_6 = arith.constant 0 : i32
    %dma_start3A_7 = tpu.memref_slice %arg7[%dma_start3A_6] : memref<272xf32, #tpu.memory_space<vmem>> -> memref<256xf32, #tpu.memory_space<vmem>>
    tpu.enqueue_dma source(%arg3 : memref<256xf32, #tpu.memory_space<hbm>>) target(%dma_start3A_7 : memref<256xf32, #tpu.memory_space<vmem>>) target_semaphore(%arg13 : memref<!tpu.dma_semaphore, #tpu.memory_space<semaphore_mem>>)
    %iota3A = tpu.iota {dimensions = array<i32: 0>} : vector<16xi32>
    %dma_wait3A = arith.constant 0 : i32
    %dma_wait3A_8 = tpu.memref_slice %arg7[%dma_wait3A] : memref<272xf32, #tpu.memory_space<vmem>> -> memref<256xf32, #tpu.memory_space<vmem>>
    %dma_wait3A_9 = arith.constant 0 : i32
    %dma_wait3A_10 = tpu.memref_slice %arg7[%dma_wait3A_9] : memref<272xf32, #tpu.memory_space<vmem>> -> memref<256xf32, #tpu.memory_space<vmem>>
    tpu.wait_dma2 semaphore(%arg13 : memref<!tpu.dma_semaphore, #tpu.memory_space<semaphore_mem>>) src(%arg3 : memref<256xf32, #tpu.memory_space<hbm>>) dst(%dma_wait3A_10 : memref<256xf32, #tpu.memory_space<vmem>>)
    %parallel_loop3A = arith.constant 0 : i32
    %parallel_loop3A_11 = arith.constant 16 : i32
    %parallel_loop3A_12 = arith.constant 1 : i32
    scf.for %parallel_loop3A_21 = %parallel_loop3A to %parallel_loop3A_11 step %parallel_loop3A_12  : i32 {
      %parallel_loop3A_22 = arith.constant 16 : i32
      %parallel_loop3A_23 = arith.muli %parallel_loop3A_21, %parallel_loop3A_22 : i32
      %parallel_loop3A_24 = arith.index_cast %parallel_loop3A_23 : i32 to index
      %parallel_loop3A_25 = tpu.vector_load %arg7[%parallel_loop3A_24] {strides = array<i32>} : memref<272xf32, #tpu.memory_space<vmem>>, vector<16xf32>,
      %parallel_loop3A_26 = arith.constant 16 : i32
      %parallel_loop3A_27 = arith.muli %parallel_loop3A_21, %parallel_loop3A_26 : i32
      %parallel_loop3A_28 = arith.constant 1 : i32
      %parallel_loop3A_29 = arith.addi %parallel_loop3A_27, %parallel_loop3A_28 : i32
      %parallel_loop3A_30 = vector.broadcast %parallel_loop3A_29 : i32 to vector<16xi32>
      %parallel_loop3A_31 = arith.addi %iota3A, %parallel_loop3A_30 : vector<16xi32>
      %parallel_loop3A_32 = tpu.vector_load_idx %arg7[%parallel_loop3A_31] : memref<272xf32, #tpu.memory_space<vmem>>[vector<16xi32>], vector<16xf32>,
      %parallel_loop3A_33 = arith.addf %parallel_loop3A_25, %parallel_loop3A_32 : vector<16xf32>
      %parallel_loop3A_34 = arith.constant 5.000000e-01 : f32
      %parallel_loop3A_35 = vector.broadcast %parallel_loop3A_34 : f32 to vector<16xf32>
      %parallel_loop3A_36 = arith.mulf %parallel_loop3A_33, %parallel_loop3A_35 : vector<16xf32>
      %parallel_loop3A_37 = arith.constant 16 : i32
      %parallel_loop3A_38 = arith.muli %parallel_loop3A_21, %parallel_loop3A_37 : i32
      %parallel_loop3A_39 = vector.broadcast %parallel_loop3A_38 : i32 to vector<16xi32>
      %parallel_loop3A_40 = arith.addi %iota3A, %parallel_loop3A_39 : vector<16xi32>
      %parallel_loop3A_41 = arith.constant 255 : i32
      %parallel_loop3A_42 = vector.broadcast %parallel_loop3A_41 : i32 to vector<16xi32>
      %parallel_loop3A_43 = arith.cmpi eq, %parallel_loop3A_40, %parallel_loop3A_42 : vector<16xi32>
      %parallel_loop3A_44 = arith.constant 0x7F800000 : f32
      %parallel_loop3A_45 = vector.broadcast %parallel_loop3A_44 : f32 to vector<16xf32>
      %parallel_loop3A_46 = arith.select %parallel_loop3A_43, %parallel_loop3A_45, %parallel_loop3A_36 : vector<16xi1>, vector<16xf32>
      %parallel_loop3A_47 = arith.constant 16 : i32
      %parallel_loop3A_48 = arith.muli %parallel_loop3A_21, %parallel_loop3A_47 : i32
      %parallel_loop3A_49 = arith.index_cast %parallel_loop3A_48 : i32 to index
      %parallel_loop3A_50 = tpu.vector_load %arg8[%parallel_loop3A_49] {strides = array<i32>} : memref<256xf32, #tpu.memory_space<vmem>>, vector<16xf32>,
      tpu.vector_store %arg8[%parallel_loop3A_49], %parallel_loop3A_46 {strides = array<i32>} : memref<256xf32, #tpu.memory_space<vmem>>, vector<16xf32>,
    } {sc.loop_unroll_factor = 4 : i64, sc.parallel_access}
    %parallel_loop3A_13 = arith.constant 0 : i32
    %parallel_loop3A_14 = arith.constant 64 : i32
    %parallel_loop3A_15 = arith.constant 1 : i32
    scf.for %parallel_loop3A_21 = %parallel_loop3A_13 to %parallel_loop3A_14 step %parallel_loop3A_15  : i32 {
      %parallel_loop3A_22 = arith.constant 16 : i32
      %parallel_loop3A_23 = arith.muli %parallel_loop3A_21, %parallel_loop3A_22 : i32
      %parallel_loop3A_24 = vector.broadcast %parallel_loop3A_23 : i32 to vector<16xi32>
      %parallel_loop3A_25 = arith.addi %parallel_loop3A_24, %iota3A : vector<16xi32>
      %parallel_loop3A_26 = arith.sitofp %parallel_loop3A_25 : vector<16xi32> to vector<16xf32>
      %parallel_loop3A_27 = arith.constant 0.005859375 : f32
      %parallel_loop3A_28 = vector.broadcast %parallel_loop3A_27 : f32 to vector<16xf32>
      %parallel_loop3A_29 = arith.mulf %parallel_loop3A_26, %parallel_loop3A_28 : vector<16xf32>
      %parallel_loop3A_30 = arith.constant -3.000000e+00 : f32
      %parallel_loop3A_31 = vector.broadcast %parallel_loop3A_30 : f32 to vector<16xf32>
      %parallel_loop3A_32 = arith.addf %parallel_loop3A_29, %parallel_loop3A_31 : vector<16xf32>
      %parallel_loop3A_33 = arith.constant 0 : i32
      %parallel_loop3A_34 = vector.broadcast %parallel_loop3A_33 : i32 to vector<16xi32>
      %parallel_loop3A_35 = arith.constant 127 : i32
      %parallel_loop3A_36 = vector.broadcast %parallel_loop3A_35 : i32 to vector<16xi32>
      %parallel_loop3A_37 = arith.addi %parallel_loop3A_34, %parallel_loop3A_36 : vector<16xi32>
      %parallel_loop3A_38 = tpu.vector_load_idx %arg8[%parallel_loop3A_37] : memref<256xf32, #tpu.memory_space<vmem>>[vector<16xi32>], vector<16xf32>,
      %parallel_loop3A_39 = arith.cmpf olt, %parallel_loop3A_38, %parallel_loop3A_32 : vector<16xf32>
      %parallel_loop3A_40 = arith.constant 128 : i32
      %parallel_loop3A_41 = vector.broadcast %parallel_loop3A_40 : i32 to vector<16xi32>
      %parallel_loop3A_42 = arith.addi %parallel_loop3A_34, %parallel_loop3A_41 : vector<16xi32>
      %parallel_loop3A_43 = arith.select %parallel_loop3A_39, %parallel_loop3A_42, %parallel_loop3A_34 : vector<16xi1>, vector<16xi32>
      %parallel_loop3A_44 = arith.constant 63 : i32
      %parallel_loop3A_45 = vector.broadcast %parallel_loop3A_44 : i32 to vector<16xi32>
      %parallel_loop3A_46 = arith.addi %parallel_loop3A_43, %parallel_loop3A_45 : vector<16xi32>
      %parallel_loop3A_47 = tpu.vector_load_idx %arg8[%parallel_loop3A_46] : memref<256xf32, #tpu.memory_space<vmem>>[vector<16xi32>], vector<16xf32>,
      %parallel_loop3A_48 = arith.cmpf olt, %parallel_loop3A_47, %parallel_loop3A_32 : vector<16xf32>
      %parallel_loop3A_49 = arith.constant 64 : i32
      %parallel_loop3A_50 = vector.broadcast %parallel_loop3A_49 : i32 to vector<16xi32>
      %parallel_loop3A_51 = arith.addi %parallel_loop3A_43, %parallel_loop3A_50 : vector<16xi32>
      %parallel_loop3A_52 = arith.select %parallel_loop3A_48, %parallel_loop3A_51, %parallel_loop3A_43 : vector<16xi1>, vector<16xi32>
      %parallel_loop3A_53 = arith.constant 31 : i32
      %parallel_loop3A_54 = vector.broadcast %parallel_loop3A_53 : i32 to vector<16xi32>
      %parallel_loop3A_55 = arith.addi %parallel_loop3A_52, %parallel_loop3A_54 : vector<16xi32>
      %parallel_loop3A_56 = tpu.vector_load_idx %arg8[%parallel_loop3A_55] : memref<256xf32, #tpu.memory_space<vmem>>[vector<16xi32>], vector<16xf32>,
      %parallel_loop3A_57 = arith.cmpf olt, %parallel_loop3A_56, %parallel_loop3A_32 : vector<16xf32>
      %parallel_loop3A_58 = arith.constant 32 : i32
      %parallel_loop3A_59 = vector.broadcast %parallel_loop3A_58 : i32 to vector<16xi32>
      %parallel_loop3A_60 = arith.addi %parallel_loop3A_52, %parallel_loop3A_59 : vector<16xi32>
      %parallel_loop3A_61 = arith.select %parallel_loop3A_57, %parallel_loop3A_60, %parallel_loop3A_52 : vector<16xi1>, vector<16xi32>
      %parallel_loop3A_62 = arith.constant 15 : i32
      %parallel_loop3A_63 = vector.broadcast %parallel_loop3A_62 : i32 to vector<16xi32>
      %parallel_loop3A_64 = arith.addi %parallel_loop3A_61, %parallel_loop3A_63 : vector<16xi32>
      %parallel_loop3A_65 = tpu.vector_load_idx %arg8[%parallel_loop3A_64] : memref<256xf32, #tpu.memory_space<vmem>>[vector<16xi32>], vector<16xf32>,
      %parallel_loop3A_66 = arith.cmpf olt, %parallel_loop3A_65, %parallel_loop3A_32 : vector<16xf32>
      %parallel_loop3A_67 = arith.constant 16 : i32
      %parallel_loop3A_68 = vector.broadcast %parallel_loop3A_67 : i32 to vector<16xi32>
      %parallel_loop3A_69 = arith.addi %parallel_loop3A_61, %parallel_loop3A_68 : vector<16xi32>
      %parallel_loop3A_70 = arith.select %parallel_loop3A_66, %parallel_loop3A_69, %parallel_loop3A_61 : vector<16xi1>, vector<16xi32>
      %parallel_loop3A_71 = arith.constant 7 : i32
      %parallel_loop3A_72 = vector.broadcast %parallel_loop3A_71 : i32 to vector<16xi32>
      %parallel_loop3A_73 = arith.addi %parallel_loop3A_70, %parallel_loop3A_72 : vector<16xi32>
      %parallel_loop3A_74 = tpu.vector_load_idx %arg8[%parallel_loop3A_73] : memref<256xf32, #tpu.memory_space<vmem>>[vector<16xi32>], vector<16xf32>,
      %parallel_loop3A_75 = arith.cmpf olt, %parallel_loop3A_74, %parallel_loop3A_32 : vector<16xf32>
      %parallel_loop3A_76 = arith.constant 8 : i32
      %parallel_loop3A_77 = vector.broadcast %parallel_loop3A_76 : i32 to vector<16xi32>
      %parallel_loop3A_78 = arith.addi %parallel_loop3A_70, %parallel_loop3A_77 : vector<16xi32>
      %parallel_loop3A_79 = arith.select %parallel_loop3A_75, %parallel_loop3A_78, %parallel_loop3A_70 : vector<16xi1>, vector<16xi32>
      %parallel_loop3A_80 = arith.constant 3 : i32
      %parallel_loop3A_81 = vector.broadcast %parallel_loop3A_80 : i32 to vector<16xi32>
      %parallel_loop3A_82 = arith.addi %parallel_loop3A_79, %parallel_loop3A_81 : vector<16xi32>
      %parallel_loop3A_83 = tpu.vector_load_idx %arg8[%parallel_loop3A_82] : memref<256xf32, #tpu.memory_space<vmem>>[vector<16xi32>], vector<16xf32>,
      %parallel_loop3A_84 = arith.cmpf olt, %parallel_loop3A_83, %parallel_loop3A_32 : vector<16xf32>
      %parallel_loop3A_85 = arith.constant 4 : i32
      %parallel_loop3A_86 = vector.broadcast %parallel_loop3A_85 : i32 to vector<16xi32>
      %parallel_loop3A_87 = arith.addi %parallel_loop3A_79, %parallel_loop3A_86 : vector<16xi32>
      %parallel_loop3A_88 = arith.select %parallel_loop3A_84, %parallel_loop3A_87, %parallel_loop3A_79 : vector<16xi1>, vector<16xi32>
      %parallel_loop3A_89 = arith.constant 1 : i32
      %parallel_loop3A_90 = vector.broadcast %parallel_loop3A_89 : i32 to vector<16xi32>
      %parallel_loop3A_91 = arith.addi %parallel_loop3A_88, %parallel_loop3A_90 : vector<16xi32>
      %parallel_loop3A_92 = tpu.vector_load_idx %arg8[%parallel_loop3A_91] : memref<256xf32, #tpu.memory_space<vmem>>[vector<16xi32>], vector<16xf32>,
      %parallel_loop3A_93 = arith.cmpf olt, %parallel_loop3A_92, %parallel_loop3A_32 : vector<16xf32>
      %parallel_loop3A_94 = arith.constant 2 : i32
      %parallel_loop3A_95 = vector.broadcast %parallel_loop3A_94 : i32 to vector<16xi32>
      %parallel_loop3A_96 = arith.addi %parallel_loop3A_88, %parallel_loop3A_95 : vector<16xi32>
      %parallel_loop3A_97 = arith.select %parallel_loop3A_93, %parallel_loop3A_96, %parallel_loop3A_88 : vector<16xi1>, vector<16xi32>
      %parallel_loop3A_98 = arith.constant 0 : i32
      %parallel_loop3A_99 = vector.broadcast %parallel_loop3A_98 : i32 to vector<16xi32>
      %parallel_loop3A_100 = arith.addi %parallel_loop3A_97, %parallel_loop3A_99 : vector<16xi32>
      %parallel_loop3A_101 = tpu.vector_load_idx %arg8[%parallel_loop3A_100] : memref<256xf32, #tpu.memory_space<vmem>>[vector<16xi32>], vector<16xf32>,
      %parallel_loop3A_102 = arith.cmpf olt, %parallel_loop3A_101, %parallel_loop3A_32 : vector<16xf32>
      %parallel_loop3A_103 = arith.constant 1 : i32
      %parallel_loop3A_104 = vector.broadcast %parallel_loop3A_103 : i32 to vector<16xi32>
      %parallel_loop3A_105 = arith.addi %parallel_loop3A_97, %parallel_loop3A_104 : vector<16xi32>
      %parallel_loop3A_106 = arith.select %parallel_loop3A_102, %parallel_loop3A_105, %parallel_loop3A_97 : vector<16xi1>, vector<16xi32>
      %parallel_loop3A_107 = tpu.vector_load_idx %arg8[%parallel_loop3A_106] : memref<256xf32, #tpu.memory_space<vmem>>[vector<16xi32>], vector<16xf32>,
      %parallel_loop3A_108 = arith.constant 16 : i32
      %parallel_loop3A_109 = arith.muli %parallel_loop3A_21, %parallel_loop3A_108 : i32
      %parallel_loop3A_110 = arith.index_cast %parallel_loop3A_109 : i32 to index
      %parallel_loop3A_111 = tpu.vector_load %arg9[%parallel_loop3A_110] {strides = array<i32>} : memref<1024xf32, #tpu.memory_space<vmem>>, vector<16xf32>,
      tpu.vector_store %arg9[%parallel_loop3A_110], %parallel_loop3A_107 {strides = array<i32>} : memref<1024xf32, #tpu.memory_space<vmem>>, vector<16xf32>,
      %parallel_loop3A_112 = tpu.vector_load_idx %arg7[%parallel_loop3A_106] : memref<272xf32, #tpu.memory_space<vmem>>[vector<16xi32>], vector<16xf32>,
      %parallel_loop3A_113 = arith.constant 16 : i32
      %parallel_loop3A_114 = arith.muli %parallel_loop3A_21, %parallel_loop3A_113 : i32
      %parallel_loop3A_115 = arith.index_cast %parallel_loop3A_114 : i32 to index
      %parallel_loop3A_116 = tpu.vector_load %arg10[%parallel_loop3A_115] {strides = array<i32>} : memref<1024xf32, #tpu.memory_space<vmem>>, vector<16xf32>,
      tpu.vector_store %arg10[%parallel_loop3A_115], %parallel_loop3A_112 {strides = array<i32>} : memref<1024xf32, #tpu.memory_space<vmem>>, vector<16xf32>,
      %parallel_loop3A_117 = arith.constant 1 : i32
      %parallel_loop3A_118 = vector.broadcast %parallel_loop3A_117 : i32 to vector<16xi32>
      %parallel_loop3A_119 = arith.addi %parallel_loop3A_106, %parallel_loop3A_118 : vector<16xi32>
      %parallel_loop3A_120 = tpu.vector_load_idx %arg7[%parallel_loop3A_119] : memref<272xf32, #tpu.memory_space<vmem>>[vector<16xi32>], vector<16xf32>,
      %parallel_loop3A_121 = arith.constant 16 : i32
      %parallel_loop3A_122 = arith.muli %parallel_loop3A_21, %parallel_loop3A_121 : i32
      %parallel_loop3A_123 = arith.index_cast %parallel_loop3A_122 : i32 to index
      %parallel_loop3A_124 = tpu.vector_load %arg11[%parallel_loop3A_123] {strides = array<i32>} : memref<1024xf32, #tpu.memory_space<vmem>>, vector<16xf32>,
      tpu.vector_store %arg11[%parallel_loop3A_123], %parallel_loop3A_120 {strides = array<i32>} : memref<1024xf32, #tpu.memory_space<vmem>>, vector<16xf32>,
    } {sc.loop_unroll_factor = 8 : i64, sc.parallel_access}
    %dma_wait3A_16 = tpu.memref_slice %arg2[%mul3A_2] : memref<262144xf32, #tpu.memory_space<hbm>> -> memref<8192xf32, #tpu.memory_space<hbm>>
    %dma_wait3A_17 = tpu.memref_slice %arg2[%mul3A_2] : memref<262144xf32, #tpu.memory_space<hbm>> -> memref<8192xf32, #tpu.memory_space<hbm>>
    tpu.wait_dma2 semaphore(%arg12 : memref<!tpu.dma_semaphore, #tpu.memory_space<semaphore_mem>>) src(%dma_wait3A_17 : memref<8192xf32, #tpu.memory_space<hbm>>) dst(%arg5 : memref<8192xf32, #tpu.memory_space<vmem>>)
    %parallel_loop3A_18 = arith.constant 0 : i32
    %parallel_loop3A_19 = arith.constant 512 : i32
    %parallel_loop3A_20 = arith.constant 1 : i32
    scf.for %parallel_loop3A_21 = %parallel_loop3A_18 to %parallel_loop3A_19 step %parallel_loop3A_20  : i32 {
      %parallel_loop3A_22 = arith.constant 16 : i32
      %parallel_loop3A_23 = arith.muli %parallel_loop3A_21, %parallel_loop3A_22 : i32
      %parallel_loop3A_24 = arith.index_cast %parallel_loop3A_23 : i32 to index
      %parallel_loop3A_25 = tpu.vector_load %arg5[%parallel_loop3A_24] {strides = array<i32>} : memref<8192xf32, #tpu.memory_space<vmem>>, vector<16xf32>,
      %parallel_loop3A_26 = arith.constant -3.000000e+00 : f32
      %parallel_loop3A_27 = vector.broadcast %parallel_loop3A_26 : f32 to vector<16xf32>
      %parallel_loop3A_28 = arith.subf %parallel_loop3A_25, %parallel_loop3A_27 : vector<16xf32>
      %parallel_loop3A_29 = arith.constant 170.666672 : f32
      %parallel_loop3A_30 = vector.broadcast %parallel_loop3A_29 : f32 to vector<16xf32>
      %parallel_loop3A_31 = arith.mulf %parallel_loop3A_28, %parallel_loop3A_30 : vector<16xf32>
      %parallel_loop3A_32 = arith.fptosi %parallel_loop3A_31 : vector<16xf32> to vector<16xi32>
      %parallel_loop3A_33 = arith.constant 0 : i32
      %parallel_loop3A_34 = arith.constant 1023 : i32
      %parallel_loop3A_35 = vector.broadcast %parallel_loop3A_33 : i32 to vector<16xi32>
      %parallel_loop3A_36 = arith.maxsi %parallel_loop3A_35, %parallel_loop3A_32 : vector<16xi32>
      %parallel_loop3A_37 = vector.broadcast %parallel_loop3A_34 : i32 to vector<16xi32>
      %parallel_loop3A_38 = arith.minsi %parallel_loop3A_37, %parallel_loop3A_36 : vector<16xi32>
      %parallel_loop3A_39 = tpu.vector_load_idx %arg9[%parallel_loop3A_38] : memref<1024xf32, #tpu.memory_space<vmem>>[vector<16xi32>], vector<16xf32>,
      %parallel_loop3A_40 = tpu.vector_load_idx %arg10[%parallel_loop3A_38] : memref<1024xf32, #tpu.memory_space<vmem>>[vector<16xi32>], vector<16xf32>,
      %parallel_loop3A_41 = tpu.vector_load_idx %arg11[%parallel_loop3A_38] : memref<1024xf32, #tpu.memory_space<vmem>>[vector<16xi32>], vector<16xf32>,
      %parallel_loop3A_42 = arith.cmpf olt, %parallel_loop3A_39, %parallel_loop3A_25 : vector<16xf32>
      %parallel_loop3A_43 = arith.select %parallel_loop3A_42, %parallel_loop3A_41, %parallel_loop3A_40 : vector<16xi1>, vector<16xf32>
      %parallel_loop3A_44 = arith.constant 16 : i32
      %parallel_loop3A_45 = arith.muli %parallel_loop3A_21, %parallel_loop3A_44 : i32
      %parallel_loop3A_46 = arith.index_cast %parallel_loop3A_45 : i32 to index
      %parallel_loop3A_47 = tpu.vector_load %arg6[%parallel_loop3A_46] {strides = array<i32>} : memref<8192xf32, #tpu.memory_space<vmem>>, vector<16xf32>,
      tpu.vector_store %arg6[%parallel_loop3A_46], %parallel_loop3A_43 {strides = array<i32>} : memref<8192xf32, #tpu.memory_space<vmem>>, vector<16xf32>,
    } {sc.loop_unroll_factor = 8 : i64, sc.parallel_access}
    "tpu.region"() ({
      %run_scoped3A = tpu.sem_alloc : memref<!tpu.dma_semaphore, #tpu.memory_space<semaphore_mem>>
      %dma_start3A_21 = tpu.memref_slice %arg4[%mul3A_2] : memref<262144xf32, #tpu.memory_space<hbm>> -> memref<8192xf32, #tpu.memory_space<hbm>>
      %dma_start3A_22 = tpu.memref_slice %arg4[%mul3A_2] : memref<262144xf32, #tpu.memory_space<hbm>> -> memref<8192xf32, #tpu.memory_space<hbm>>
      tpu.enqueue_dma source(%arg6 : memref<8192xf32, #tpu.memory_space<vmem>>) target(%dma_start3A_22 : memref<8192xf32, #tpu.memory_space<hbm>>) target_semaphore(%run_scoped3A : memref<!tpu.dma_semaphore, #tpu.memory_space<semaphore_mem>>)
      %dma_wait3A_23 = tpu.memref_slice %arg4[%mul3A_2] : memref<262144xf32, #tpu.memory_space<hbm>> -> memref<8192xf32, #tpu.memory_space<hbm>>
      %dma_wait3A_24 = tpu.memref_slice %arg4[%mul3A_2] : memref<262144xf32, #tpu.memory_space<hbm>> -> memref<8192xf32, #tpu.memory_space<hbm>>
      tpu.wait_dma2 semaphore(%run_scoped3A : memref<!tpu.dma_semaphore, #tpu.memory_space<semaphore_mem>>) src(%arg6 : memref<8192xf32, #tpu.memory_space<vmem>>) dst(%dma_wait3A_24 : memref<8192xf32, #tpu.memory_space<hbm>>)
      tpu.yield
    }) : () -> ()
    return
  }
}

</mosaic_0001>

<sc_bundles>
// kernel: kernel.3.cloned.1.call-start
scs
__scs_entry_jumppad:
0x0: {  	(pc) =	sbr.rel $0x88, $3  }
0x1: {  	(tag) =	ssettag $0x0;
	lr =	simm.s32 $0x1  }
0x2: {  	[smem:$0x3F9F] =	sst lr;
	_ =	strace $0xD0000000  }
0x3: {  	_ = 	snop  }
0x4: {  	_ = 	snop  }
0x5: {  	_ = 	snop  }
0x6: {  	_ = 	snop  }
0x7: {  	_ = 	snop  }
__scs_overlays_trampoline_lowered:
0x8: {  	[smem:$0x3FAE] =	sst s0  }
0x9: {  	[smem:$0x3FAF] =	sst s1  }
0xa: {  	[smem:$0x3FB0] =	sst s2  }
0xb: {  	[smem:$0x3FB1] =	sst s3  }
0xc: {  	[smem:$0x3FB2] =	sst s4  }
0xd: {  	[smem:$0x3FB3] =	sst s5  }
0xe: {  	[smem:$0x3FB4] =	sst s6  }
0xf: {  	[smem:$0x3FB5] =	sst s7  }
0x10: {  	[smem:$0x3FB6] =	sst s8  }
0x11: {  	[smem:$0x3FB7] =	sst s9;
	s0 =	simm.s32 @!p0 $0x0  }
0x12: {  	s1 =	sld [smem:$0x3F9D];
	s0 =	simm.s32 @p0 $0x1  }
0x13: {  	[smem:$0x3FB8] =	sst s0;
	s0 =	simm.s32 @!p1 $0x0  }
0x14: {  	s2 =	sld [smem:$0x3F9C];
	s0 =	simm.s32 @p1 $0x1  }
0x15: {  	[smem:$0x3FB9] =	sst s0;
	s0 =	simm.s32 @!p2 $0x0  }
0x16: {  	s3 =	sld [smem:$0x3FDB];
	s0 =	simm.s32 @p2 $0x1  }
0x17: {  	s4 =	simm.s32 $0x1BF5;
	[smem:$0x3FBB] =	sst s0  }
0x18: {  	s0 =	sld [smem:$0x3F9E];
	_ =	swait.ge [sflag:s4], $0x0  }
0x19: {  	s7 =	sld [smem:$0x3F9F]  }
0x1a: {  	s8 =	sadd.s32 $0xFFFFE003, lr  }
0x1b: {  	s9 =	sadd.s32 $0xFFFFFEF7, lr;
	s5 =	simm.s32 $0xFFFFFFFF;
	p2 =	slt.u32 s8, $0xFFFFF086  }
0x1c: {  	p1 =	slt.u32 s9, $0xF7A;
	s5 =	simm.s32 @!p2 $0x0  }
0x1d: {  	s5 =	simm.s32 @p1 $0x1;
	p0 =	seq.s32 s7, s2  }
0x1e: {  	s7 =	smul.u32 @!p0 $0xF7A, s2;
	p2 =	seq.s32 @!p0 s5, $0x0  }
0x1f: {  	s9 =	smul.u32 $0xF7A, s1;
	s8 =	simm.s32 @!p0 $0x1BF5;
	p2 =	por !p2, p0  }
0x20: {  	[sflag:s8] =	ssyncset.s32 @!p0 $0xFFFFF086;
	s6 =	sadd.s32 @!p0 s3, s7;
	s7 =	simm.s32 @!p0 $0x108  }
0x21: {  	s3 =	sadd.s32 s3, s9;
	s6 =	sadd.s32 @!p0 $0x88, s6;
	s7 =	simm.s32 @p2 $0x1082  }
0x22: {  	[simem:s7], [sflag:s8] =	dma.local @!p0 [hbm:s6], $0xF7A  }
0x23: {  	s9 =	sor.u32 $0xD0000000, s2;
	s6 =	simm.s32 $0x108;
	_ =	swait.ge @!p0 [sflag:s8], $0x0  }
0x24: {  	s3 =	sadd.s32 $0x88, s3;
	s6 =	simm.s32 @!p1 $0x1082;
	[sflag:s4] =	ssyncset.s32 $0xFFFFF086  }
0x25: {  	[simem:s6], [sflag:s4] =	dma.local [hbm:s3], $0xF7A  }
0x26: {  	[smem:$0x3F9F] =	sst s1;
	(tag) =	ssettag s2;
	_ =	strace s9  }
0x27: {  	s1 =	sld [smem:$0x3FAF]  }
0x28: {  	s2 =	sld [smem:$0x3FB0]  }
0x29: {  	s4 =	sld [smem:$0x3FB2]  }
0x2a: {  	p0 =	seq.s32 s5, $0x0;
	s5 =	sld [smem:$0x3FB3]  }
0x2b: {  	s6 =	sld [smem:$0x3FB4]  }
0x2c: {  	s7 =	sld [smem:$0x3FB5]  }
0x2d: {  	s3 =	simm.s32 $0x108;
	s8 =	sld [smem:$0x3FB6]  }
0x2e: {  	s3 =	simm.s32 @!p0 $0x1082;
	s9 =	sld [smem:$0x3FB7]  }
0x2f: {  	lr =	sadd.s32 s0, s3;
	s0 =	sld [smem:$0x3FAE]  }
0x30: {  	s3 =	sld [smem:$0x3FB1]  }
0x31: {  	[smem:$0x3FBA] =	sst s10  }
0x32: {  	s10 =	sld [smem:$0x3FB8];
	_ =	sdelay $0x3  }
0x33: {  	p0 =	seq.s32 s10, $0x1;
	s10 =	sld [smem:$0x3FBA];
	_ =	sdelay $0x3  }
0x34: {  	[smem:$0x3FBA] =	sst s10  }
0x35: {  	s10 =	sld [smem:$0x3FB9];
	_ =	sdelay $0x3  }
0x36: {  	p1 =	seq.s32 s10, $0x1;
	s10 =	sld [smem:$0x3FBA];
	_ =	sdelay $0x3  }
0x37: {  	[smem:$0x3FBA] =	sst s10  }
0x38: {  	s10 =	sld [smem:$0x3FBB]  }
0x39: {  	_ = 	snop;
	(pc) =	sbr.ind lr, $3  }
0x3a: {  	_ = 	snop  }
0x3b: {  	_ = 	snop  }
0x3c: {  	p2 =	seq.s32 s10, $0x1;
	s10 =	sld [smem:$0x3FBA]  }
0x3d: {  	_ =	shalt  }
0x3e: {  	_ =	shalt  }
0x3f: {  	_ =	shalt  }
0x40: {  	_ =	shalt  }
0x41: {  	_ =	shalt  }
0x42: {  	_ =	shalt  }
0x43: {  	_ =	shalt  }
0x44: {  	_ =	shalt  }
0x45: {  	_ =	shalt  }
0x46: {  	_ =	shalt  }
0x47: {  	_ =	shalt  }
0x48: {  	_ =	shalt  }
0x49: {  	_ =	shalt  }
0x4a: {  	_ =	shalt  }
0x4b: {  	_ =	shalt  }
0x4c: {  	_ =	shalt  }
0x4d: {  	_ =	shalt  }
0x4e: {  	_ =	shalt  }
0x4f: {  	_ =	shalt  }
0x50: {  	_ =	shalt  }
0x51: {  	_ =	shalt  }
0x52: {  	_ =	shalt  }
0x53: {  	_ =	shalt  }
0x54: {  	_ =	shalt  }
0x55: {  	_ =	shalt  }
0x56: {  	_ =	shalt  }
0x57: {  	_ =	shalt  }
0x58: {  	_ =	shalt  }
0x59: {  	_ =	shalt  }
0x5a: {  	_ =	shalt  }
0x5b: {  	_ =	shalt  }
0x5c: {  	_ =	shalt  }
0x5d: {  	_ =	shalt  }
0x5e: {  	_ =	shalt  }
0x5f: {  	_ =	shalt  }
0x60: {  	_ =	shalt  }
0x61: {  	_ =	shalt  }
0x62: {  	_ =	shalt  }
0x63: {  	_ =	shalt  }
0x64: {  	_ =	shalt  }
0x65: {  	_ =	shalt  }
0x66: {  	_ =	shalt  }
0x67: {  	_ =	shalt  }
0x68: {  	_ =	shalt  }
0x69: {  	_ =	shalt  }
0x6a: {  	_ =	shalt  }
0x6b: {  	_ =	shalt  }
0x6c: {  	_ =	shalt  }
0x6d: {  	_ =	shalt  }
0x6e: {  	_ =	shalt  }
0x6f: {  	_ =	shalt  }
0x70: {  	_ =	shalt  }
0x71: {  	_ =	shalt  }
0x72: {  	_ =	shalt  }
0x73: {  	_ =	shalt  }
0x74: {  	_ =	shalt  }
0x75: {  	_ =	shalt  }
0x76: {  	_ =	shalt  }
0x77: {  	_ =	shalt  }
0x78: {  	_ =	shalt  }
0x79: {  	_ =	shalt  }
0x7a: {  	_ =	shalt  }
0x7b: {  	_ =	shalt  }
0x7c: {  	_ =	shalt  }
0x7d: {  	_ =	shalt  }
0x7e: {  	_ =	shalt  }
0x7f: {  	_ =	shalt  }
0x80: {  	_ =	shalt  }
0x81: {  	_ =	shalt  }
0x82: {  	_ =	shalt  }
0x83: {  	_ =	shalt  }
0x84: {  	_ =	shalt  }
0x85: {  	_ =	shalt  }
0x86: {  	_ =	shalt  }
0x87: {  	_ =	shalt  }
.Lfunc_end0:
.L_simem_size_0:
called_computation_lowered:
.L_overlay_start_0:
0x88: {  	s2 =	sld [smem:$0x3FD9]  }
0x89: {  	s3 =	sld [smem:$0x3FFE];
	_ =	sdelay $0x1  }
0x8a: {  	s1 =	srdreg.scid  }
0x8b: {  	s0 =	sand.u32 $0x1, s1  }
0x8c: {  	s18 =	sshll.u32 s0, $0xA;
	s2 =	sadd.s32 s3, s2  }
0x8d: {  	s2 =	sadd.s32 s2, s18  }
0x8e: {  	[smem:$0x3FC6] =	sst s2  }
0x8f: {  	_ = 	snop  }
0x90: {  	s2 =	sld [smem:$0x3FC9]  }
0x91: {  	s19 =	sld [smem:$0x3FC8]  }
0x92: {  	s4 =	sld [smem:$0x3FD0];
	(tm) =	ssettm $0x1  }
0x93: {  	s5 =	sld [smem:$0x3FFB];
	_ =	sdelay $0x3  }
0x94: {  	_ =	strace s5  }
0x95: {  	s5 =	sld [smem:$0x3FFC];
	_ =	sdelay $0x3  }
0x96: {  	_ =	strace s5  }
0x97: {  	s5 =	sld [smem:$0x3FFD];
	_ =	sdelay $0x3  }
0x98: {  	_ =	strace s5  }
0x99: {  	_ =	strace $0x8FFFFFFF  }
0x9a: {  	s20 =	sld [smem:$0x3FDB];
	_ =	sdelay $0x1  }
0x9b: {  	s6 =	simm.s32 $_scs_section_size  }
0x9c: {  	s7 =	simm.s32 $_size__tile_overlayer_lowered;
	s8 =	simm.s32 $_tile_overlayer_lowered  }
0x9d: {  	s23 =	simm.s32 $0x1BFF;
	s22 =	sshll.u32 s8, $0x1;
	s5 =	sadd.s32 s6, s20  }
0x9e: {  	s9 =	simm.s32 $0x0;
	s21 =	sshll.u32 s7, $0x1;
	s7 =	sadd.s32 s22, s5  }
0x9f: {  	[timem:s9], [sflag:s23] =	dma.local [hbm:s7], s21  }
0xa0: {  	_ =	swait.ge [sflag:s23], s21  }
0xa1: {  	s6 =	ssub.s32 $0x0, s21;
	[sflag:s23] =	ssyncset.done $0x0  }
0xa2: {  	[sflag:s23] =	ssyncadd.s32 s6;
	_ =	sdelay $0x1  }
0xa3: {  	s24 =	simm.s32 $0x1B8B  }
0xa4: {  	_ =	swait.ge [sflag:s24], $0x1  }
0xa5: {  	[sflag:s24] =	ssyncset.done $0x0  }
0xa6: {  	s25 =	simm.s32 $0x1B8E;
	[sflag:s24] =	ssyncadd.s32 $0xFFFFFFFF  }
0xa7: {  	s26 =	simm.s32 $execute0_lowered;
	[smem:$0x3FD2] =	sst s25  }
0xa8: {  	s6 =	sshll.u32 s26, $0x1;
	_ =	strace $0x80000046;
	[dreg:$0x1] =	wrdreg $0xFFFFFFFF  }
0xa9: {  	s28 =	simm.s32 $_size_execute0_lowered;
	s5 =	sadd.s32 s5, s6;
	[dreg:$0x0] =	wrdreg $0x0  }
0xaa: {  	s6 =	sshll.u32 s28, $0x1;
	[dreg:$0x2] =	wrdreg s5  }
0xab: {  	[dreg:$0x3] =	wrdreg s6  }
0xac: {  	[dreg:$0x4] =	wrdreg $0xC0  }
0xad: {  	_ =	task [dreg:s9], $0x5FFFF  }
0xae: {  	[dreg:$0x1] =	wrdreg $0xFFFFFFFF  }
0xaf: {  	[dreg:$0x0] =	wrdreg $0x60  }
0xb0: {  	[dreg:$0x2] =	wrdreg s2  }
0xb1: {  	[dreg:$0x3] =	wrdreg s19  }
0xb2: {  	[dreg:$0x4] =	wrdreg s4  }
0xb3: {  	[dreg:$0x5] =	wrdreg $0x9  }
0xb4: {  	_ =	task.clear_ibuf [dreg:s9], $0x6FFFF;
	_ =	strace $0x90000046  }
0xb5: {  	s29 =	simm.s32 $0x9;
	_ =	strace $0x80000048  }
0xb6: {  	_ =	swait.ge [sflag:s29], $0x1  }
0xb7: {  	[sflag:s29] =	ssyncadd.s32 $0xFFFFFFFF  }
0xb8: {  	_ =	strace $0x90000048  }
0xb9: {  	_ =	sfence  }
0xba: {  	s30 =	sld [smem:$0x0];
	_ =	sdelay $0x2  }
0xbb: {  	s31 =	sshll.u32 s1, $0xD;
	s1 =	sshrl.u32 s1, $0x2  }
0xbc: {  	s3 =	sand.u32 $0x4000, s31;
	s1 =	sadd.s32 s1, s30  }
0xbd: {  	s0 =	sor.u32 s3, s0;
	s1 =	sshll.u32 s1, $0x11  }
0xbe: {  	s0 =	sor.u32 s1, s0  }
0xbf: {  	s0 =	sadd.s32 $0x8F2B, s0  }
0xc0: {  	[sflag:s0] =	ssyncadd.remote.s32 $0x1  }
0xc1: {  	_ =	sfence.sel $0xFFFF  }
0xc2: {  	[dreg:$0x0] =	wrdreg $0xFFFFFFFF;
	(pc) =	sbr.abs _section_cstart, $3  }
0xc3: {  	[dreg:$0x1] =	wrdreg $0xFFFFFFFF  }
0xc4: {  	_ =	task.clear_ibuf [dreg:s9], $0x2FFFF;
	_ =	strace $0x9FFFFFFF  }
0xc5: {  	(tm) =	ssettm $0x7FFFFFFF  }
tec
execute0_lowered:
.L_overlay_start_1:
0x0: {  	(tag) =	ssettag $0x1  }
0x1: {  	s4 =	rddreg [dreg:$0x0]  }
0x2: {  	s1 =	rddreg [dreg:$0x1]  }
0x3: {  	s5 =	rddreg [dreg:$0x2]  }
0x4: {  	s0 =	rddreg [dreg:$0x3];
	s6 =	srdreg.scid  }
0x5: {  	s3 =	simm.s32 $0x0;
	s2 =	stileid.u32;
	s10 =	simm.s32 $0x1  }
0x6: {  	s11 =	simm.s32 $0x4280;
	s12 =	simm.s32 $0x4680;
	s13 =	simm.s32 $0x4A80  }
0x7: {  	s14 =	simm.s32 $0x2000;
	s15 =	simm.s32 $0x3;
	s16 =	simm.s32 $0x0  }
0x8: {  	s6 =	sand.u32 $0x1, s6;
	s8 =	sshll.u32 s2, $0xB;
	[smem:$0x7FF] =	sst s3  }
0x9: {  	v0 =	vlaneseq.u32;
	s7 =	ssub.s32 $0x2, s6;
	s6 =	sshll.u32 s6, $0xA;
	_ =	strace $0x80000047  }
0xa: {  	v1 =	vmul.u32 $0xFFFFFFFF, v0;
	s9 =	sshrl.u32 s7, $0x1;
	s6 =	sor.u32 s6, s8;
	s8 =	simm.s32 $0x2  }
0xb: {  	v59 =	vimm.s32 $0x7F;
	s7 =	ssub.s32 s7, s9;
	s4 =	sadd.s32 s4, s6;
	s5 =	sadd.s32 s5, s6  }
0xc: {  	v3 =	vimm.s32 $0x0;
	v1 =	vadd.s32 $0xFF, v1;
	s9 =	simm.s32 $0x4180;
	s6 =	smax.u32 s7, $0x1;
	s7 =	simm.s32 $0x4000  }
.LBB2_1:
0xd: {  	[tilespmem:s3], [sflag:$0x1] =	stream.linear.gather [hbm4b:s4+s3], $0x2000, $0x38;
	[tilespmem:$0x4E80] =	vst v63  }
0xe: {  	s17 =	simm.s32 $0x31  }
0xf: {  	v4 =	vadd.s32 s17, v0  }
0x10: {  	[tilespmem:s7], [sflag:$0x2] =	stream.linear.gather [hbm4b:s1+s3], $0x100, $0x38;
	[tilespmem:$0x4E80] =	vst v63  }
0x11: {  	_ =	swait.ge [sflag:s8], $0x100  }
0x12: {  	s28 =	simm.s32 $0x1;
	[sflag:s8] =	ssyncset.done $0x0  }
0x13: {  	s18 =	simm.s32 $0x11;
	v5 =	vadd.s32 s28, v0;
	[sflag:s8] =	ssyncadd.s32 $0xFFFFFF00  }
0x14: {  	s29 =	simm.s32 $0x21;
	s30 =	simm.s32 $0x4020;
	v6 =	vadd.s32 s18, v0;
	v10 =	vld.idx.msk [tilespmem:v4+s7+$0x0], $0xffff  }
0x15: {  	v8 =	vadd.s32 s29, v0;
	v11 =	vld [tilespmem:s30+$0x10];
	_ =	sdelay $0x2  }
0x16: {  	s17 =	simm.s32 $0x71;
	v7 =	vld.idx.msk [tilespmem:v5+s7+$0x0], $0xffff  }
0x17: {  	v5 =	vadd.s32 s17, v0;
	v13 =	vld.idx.msk [tilespmem:v6+s7+$0x0], $0xffff  }
0x18: {  	s19 =	simm.s32 $0x41;
	v4 =	vld.idx.msk [tilespmem:v8+s7+$0x0], $0xffff;
	v10 =	vadd.f32 v10, v11  }
0x19: {  	s20 =	simm.s32 $0x51;
	v14 =	vadd.s32 s19, v0;
	v15 =	vld [tilespmem:s30+$0xFFFFFFF0]  }
0x1a: {  	s21 =	simm.s32 $0x61;
	v9 =	vld [tilespmem:s30+$0x0];
	v16 =	vmul.f32 $5.000000000e-01, v10;
	v10 =	vadd.s32 s20, v0  }
0x1b: {  	s31 =	simm.s32 $0x30;
	v8 =	vld [tilespmem:s30+$0xFFFFFFE0];
	v11 =	vadd.s32 s21, v0  }
0x1c: {  	s19 =	simm.s32 $0x4060;
	v6 =	vld.idx.msk [tilespmem:v5+s7+$0x0], $0xffff;
	v5 =	vmov s31  }
0x1d: {  	v12 =	vld [tilespmem:s19+$0x10];
	vm0 =	veq.s32 v5, v1  }
0x1e: {  	s18 =	simm.s32 $0x41A0;
	s21 =	simm.s32 $0xB1;
	v13 =	vadd.f32 v13, v15;
	v5 =	vld.idx.msk [tilespmem:v14+s7+$0x0], $0xffff;
	s20 =	simm.s32 $0x4;
	v14 =	vsel vm0, $0x7F800000, v16  }
.LBB2_2:
0x1f: {  	s22 =	sadd.s32 $0xFFFFFFD0, s21;
	s23 =	sadd.s32 $0xFFFFFFE0, s21;
	v15 =	vadd.s32 s21, v0;
	s20 =	sadd.s32 $0x4, s20;
	v16 =	vld.idx.msk [tilespmem:v10+s7+$0x0], $0xffff;
	v9 =	vadd.f32 v4, v9;
	[tilespmem:s18+$0x10] =	vst v14  }
0x20: {  	v14 =	vadd.s32 s22, v0;
	v10 =	vadd.s32 s23, v0;
	s22 =	sadd.s32 $0xFFFFFFF0, s21;
	p0 =	slt.u32 s20, $0xC;
	v4 =	vld.idx.msk [tilespmem:v11+s7+$0x0], $0xffff;
	v7 =	vadd.f32 v7, v8  }
0x21: {  	v13 =	vmul.f32 $5.000000000e-01, v13;
	v11 =	vadd.s32 s22, v0;
	v17 =	vld [tilespmem:s19+$0xFFFFFFF0];
	v18 =	vmul.f32 $5.000000000e-01, v9  }
.Ltmp0:
0x22: {  	v9 =	vld [tilespmem:s19+$0x0];
	v12 =	vadd.f32 v6, v12;
	v2 =	vmul.f32 $5.000000000e-01, v7;
	(pc) =	sbr.rel @p0 .LBB2_2-.Ltmp0, $4  }
0x23: {  	s22 =	sadd.s32 $0xFFFFFFFF, s17;
	s17 =	smov.u32 s21;
	v8 =	vld [tilespmem:s19+$0xFFFFFFE0];
	[tilespmem:s18+$0xFFFFFFF0] =	vst v13  }
0x24: {  	v13 =	vmov s22;
	s19 =	sadd.s32 $0x40, s19;
	v6 =	vld.idx.msk [tilespmem:v15+s7+$0x0], $0xffff;
	v15 =	vmul.f32 $5.000000000e-01, v12;
	[tilespmem:s18+$0xFFFFFFE0] =	vst v2;
	v7 =	vmov v5  }
0x25: {  	vm0 =	veq.s32 v13, v1;
	v12 =	vld [tilespmem:s19+$0x10];
	[tilespmem:s18+$0x0] =	vst v18  }
0x26: {  	s21 =	sadd.s32 $0x40, s21;
	s18 =	sadd.s32 $0x40, s18;
	v5 =	vld.idx.msk [tilespmem:v14+s7+$0x0], $0xffff;
	v13 =	vadd.f32 v16, v17;
	v14 =	vsel vm0, $0x7F800000, v15  }
0x27: {  	_ =	sdelay $0x3  }
0x28: {  	v10 =	vld.idx.msk [tilespmem:v10+s7+$0x0], $0xffff  }
0x29: {  	v11 =	vld.idx.msk [tilespmem:v11+s7+$0x0], $0xffff  }
0x2a: {  	v15 =	vld [tilespmem:s19+$0xFFFFFFF0]  }
0x2b: {  	v16 =	vld [tilespmem:s19+$0xFFFFFFE0]  }
0x2c: {  	v4 =	vadd.f32 v4, v9;
	v61 =	vld [tilespmem:s19+$0x0]  }
0x2d: {  	s17 =	sadd.s32 $0xFFFFFFFF, s17;
	v7 =	vadd.f32 v7, v8;
	v62 =	vmul.f32 $5.000000000e-01, v13;
	v6 =	vadd.f32 v6, v12  }
0x2e: {  	[tilespmem:s18+$0x10] =	vst v14;
	v63 =	vmov s17;
	v4 =	vmul.f32 $5.000000000e-01, v4  }
0x2f: {  	v7 =	vmul.f32 $5.000000000e-01, v7;
	[tilespmem:s18+$0xFFFFFFF0] =	vst v62;
	v6 =	vmul.f32 $5.000000000e-01, v6;
	v10 =	vadd.f32 v10, v15  }
0x30: {  	vm0 =	veq.s32 v63, v1;
	[tilespmem:s18+$0x0] =	vst v4;
	v5 =	vadd.f32 v5, v16  }
0x31: {  	s22 =	sadd.s32 $0x40, s18;
	[tilespmem:s18+$0xFFFFFFE0] =	vst v7;
	v4 =	vsel vm0, $0x7F800000, v6;
	v6 =	vadd.f32 v11, v61;
	v7 =	vmul.f32 $5.000000000e-01, v10  }
0x32: {  	[tilespmem:s22+$0x10] =	vst v4;
	v4 =	vmul.f32 $5.000000000e-01, v5  }
0x33: {  	s23 =	simm.s32 $0x60;
	v5 =	vmul.f32 $5.000000000e-01, v6;
	[tilespmem:s22+$0xFFFFFFF0] =	vst v7  }
0x34: {  	[tilespmem:s22+$0xFFFFFFE0] =	vst v4;
	v4 =	vor.u32 s23, v0  }
0x35: {  	[tilespmem:s22+$0x0] =	vst v5;
	v4 =	vcvt.s32.f32 v4  }
0x36: {  	v5 =	vld.idx.msk [tilespmem:v59+s9+$0x0], $0xffff  }
0x37: {  	v4 =	vmul.f32 $5.859375000e-03, v4;
	_ =	sdelay $0x1  }
0x38: {  	v4 =	vadd.f32 $-3.000000000e+00, v4;
	_ =	sdelay $0x1  }
0x39: {  	vm0 =	vlt.f32 v5, v4  }
0x3a: {  	s25 =	simm.s32 $0x10;
	v7 =	vsel vm0, $0x80, v3  }
0x3b: {  	s29 =	simm.s32 $0x0;
	s30 =	simm.s32 $0x40;
	v32 =	vor.u32 s25, v0;
	v33 =	vor.u32 $0x3F, v7  }
0x3c: {  	s31 =	simm.s32 $0x50;
	v13 =	vor.u32 s30, v0;
	v8 =	vcvt.s32.f32 v32;
	v12 =	vor.u32 s29, v0  }
0x3d: {  	v14 =	vor.u32 s31, v0;
	v13 =	vcvt.s32.f32 v13;
	v12 =	vcvt.s32.f32 v12  }
0x3e: {  	s26 =	simm.s32 $0x20;
	s28 =	simm.s32 $0x30;
	v14 =	vcvt.s32.f32 v14;
	v8 =	vmul.f32 $5.859375000e-03, v8  }
0x3f: {  	v34 =	vor.u32 s26, v0;
	v35 =	vor.u32 s28, v0;
	v12 =	vmul.f32 $5.859375000e-03, v12  }
0x40: {  	v13 =	vmul.f32 $5.859375000e-03, v13;
	v36 =	vmul.f32 $5.859375000e-03, v14;
	v17 =	vadd.f32 $-3.000000000e+00, v8;
	v9 =	vld.idx.msk [tilespmem:v33+s9+$0x0], $0xffff  }
0x41: {  	s24 =	simm.s32 $0x70;
	v10 =	vcvt.s32.f32 v34;
	v11 =	vcvt.s32.f32 v35;
	v18 =	vadd.f32 $-3.000000000e+00, v12  }
0x42: {  	v15 =	vadd.f32 $-3.000000000e+00, v13;
	v12 =	vadd.f32 $-3.000000000e+00, v36;
	v6 =	vor.u32 s24, v0  }
0x43: {  	v10 =	vmul.f32 $5.859375000e-03, v10;
	v11 =	vmul.f32 $5.859375000e-03, v11;
	vm0 =	vlt.f32 v5, v18  }
0x44: {  	v6 =	vcvt.s32.f32 v6;
	vm1 =	vlt.f32 v5, v17;
	v37 =	vsel vm0, $0x80, v3  }
0x45: {  	v38 =	vor.u32 $0x40, v7;
	v19 =	vor.u32 $0x3F, v37;
	vm0 =	vlt.f32 v9, v4  }
0x46: {  	v16 =	vadd.f32 $-3.000000000e+00, v10;
	v39 =	vsel vm1, $0x80, v3;
	v9 =	vsel vm0, v38, v7  }
0x47: {  	v14 =	vadd.f32 $-3.000000000e+00, v11;
	v20 =	vor.u32 $0x3F, v39;
	v13 =	vand.u32 $0x40, v9  }
0x48: {  	v6 =	vmul.f32 $5.859375000e-03, v6;
	vm0 =	vlt.f32 v5, v16;
	v7 =	vor.u32 v13, v7  }
0x49: {  	vm1 =	vlt.f32 v5, v14;
	v40 =	vsel vm0, $0x80, v3;
	v7 =	vor.u32 $0x1F, v7  }
0x4a: {  	v19 =	vld.idx.msk [tilespmem:v19+s9+$0x0], $0xffff;
	v13 =	vadd.f32 $-3.000000000e+00, v6;
	v6 =	vsel vm1, $0x80, v3;
	v21 =	vor.u32 $0x3F, v40  }
0x4b: {  	vm0 =	vlt.f32 v5, v15;
	v22 =	vor.u32 $0x3F, v6  }
0x4c: {  	v20 =	vld.idx.msk [tilespmem:v20+s9+$0x0], $0xffff;
	vm1 =	vlt.f32 v5, v12;
	vm2 =	vlt.f32 v5, v13;
	v5 =	vsel vm0, $0x80, v3  }
0x4d: {  	v29 =	vor.u32 $0x40, v39;
	v25 =	vor.u32 $0x3F, v5  }
0x4e: {  	v28 =	vor.u32 $0x40, v37;
	v30 =	vor.u32 $0x40, v40;
	v23 =	vsel vm1, $0x80, v3;
	v7 =	vld.idx.msk [tilespmem:v7+s9+$0x0], $0xffff  }
0x4f: {  	v31 =	vor.u32 $0x40, v6;
	v26 =	vor.u32 $0x3F, v23;
	vm0 =	vlt.f32 v19, v18;
	v21 =	vld.idx.msk [tilespmem:v21+s9+$0x0], $0xffff  }
0x50: {  	v19 =	vor.u32 $0x40, v23;
	v24 =	vsel vm2, $0x80, v3;
	v32 =	vor.u32 $0x40, v5;
	v22 =	vld.idx.msk [tilespmem:v22+s9+$0x0], $0xffff  }
0x51: {  	v28 =	vsel vm0, v28, v37;
	vm0 =	vlt.f32 v20, v17;
	v27 =	vor.u32 $0x3F, v24  }
0x52: {  	v20 =	vor.u32 $0x40, v24;
	v33 =	vand.u32 $0x40, v28;
	v29 =	vsel vm0, v29, v39;
	v25 =	vld.idx.msk [tilespmem:v25+s9+$0x0], $0xffff  }
0x53: {  	v41 =	vand.u32 $0x40, v29;
	vm0 =	vlt.f32 v7, v4;
	v7 =	vor.u32 $0x20, v9  }
0x54: {  	v10 =	vor.u32 v33, v37;
	v11 =	vor.u32 v41, v39;
	v7 =	vsel vm0, v7, v9  }
0x55: {  	v42 =	vld.idx.msk [tilespmem:v26+s9+$0x0], $0xffff;
	vm1 =	vlt.f32 v21, v16;
	vm0 =	vlt.f32 v22, v14;
	v22 =	vor.u32 $0xF, v7  }
0x56: {  	v10 =	vor.u32 $0x1F, v10;
	v11 =	vor.u32 $0x1F, v11;
	v26 =	vld.idx.msk [tilespmem:v27+s9+$0x0], $0xffff;
	v21 =	vsel vm1, v30, v40  }
0x57: {  	v27 =	vand.u32 $0x40, v21;
	v30 =	vsel vm0, v31, v6;
	vm0 =	vlt.f32 v25, v15  }
0x58: {  	v8 =	vor.u32 v27, v40;
	v25 =	vand.u32 $0x40, v30;
	v31 =	vsel vm0, v32, v5  }
0x59: {  	v8 =	vor.u32 $0x1F, v8;
	v27 =	vand.u32 $0x40, v31;
	v6 =	vor.u32 v25, v6  }
0x5a: {  	vm0 =	vlt.f32 v42, v12;
	v5 =	vor.u32 v27, v5;
	v6 =	vor.u32 $0x1F, v6;
	v43 =	vld.idx.msk [tilespmem:v22+s9+$0x0], $0xffff  }
0x5b: {  	v19 =	vsel vm0, v19, v23;
	vm0 =	vlt.f32 v26, v13;
	v5 =	vor.u32 $0x1F, v5  }
0x5c: {  	v10 =	vld.idx.msk [tilespmem:v10+s9+$0x0], $0xffff;
	v20 =	vsel vm0, v20, v24;
	v22 =	vand.u32 $0x40, v19  }
0x5d: {  	v11 =	vld.idx.msk [tilespmem:v11+s9+$0x0], $0xffff;
	v25 =	vand.u32 $0x40, v20;
	v22 =	vor.u32 v22, v23  }
0x5e: {  	v44 =	vor.u32 $0x10, v7;
	v24 =	vor.u32 v25, v24;
	v8 =	vld.idx.msk [tilespmem:v8+s9+$0x0], $0xffff;
	v22 =	vor.u32 $0x1F, v22  }
0x5f: {  	v45 =	vor.u32 $0x20, v30;
	v24 =	vor.u32 $0x1F, v24;
	v6 =	vld.idx.msk [tilespmem:v6+s9+$0x0], $0xffff;
	vm0 =	vlt.f32 v43, v4  }
0x60: {  	v26 =	vor.u32 $0x20, v21;
	v46 =	vor.u32 $0x20, v31;
	v5 =	vld.idx.msk [tilespmem:v5+s9+$0x0], $0xffff;
	v7 =	vsel vm0, v44, v7  }
0x61: {  	v23 =	vor.u32 $0x20, v28;
	vm0 =	vlt.f32 v10, v18;
	v27 =	vadd.s32 $0x7, v7  }
0x62: {  	v25 =	vor.u32 $0x20, v29;
	v23 =	vsel vm0, v23, v28;
	vm0 =	vlt.f32 v11, v17  }
0x63: {  	v47 =	vld.idx.msk [tilespmem:v22+s9+$0x0], $0xffff;
	v22 =	vor.u32 $0xF, v23;
	v25 =	vsel vm0, v25, v29;
	vm0 =	vlt.f32 v8, v16  }
0x64: {  	v48 =	vld.idx.msk [tilespmem:v24+s9+$0x0], $0xffff;
	v24 =	vor.u32 $0xF, v25;
	v21 =	vsel vm0, v26, v21;
	vm0 =	vlt.f32 v6, v14  }
0x65: {  	v6 =	vor.u32 $0xF, v21;
	v9 =	vsel vm0, v45, v30;
	vm0 =	vlt.f32 v5, v15  }
0x66: {  	v26 =	vor.u32 $0xF, v9;
	v10 =	vsel vm0, v46, v31;
	v5 =	vld.idx.msk [tilespmem:v27+s9+$0x0], $0xffff  }
0x67: {  	v27 =	vor.u32 $0xF, v10  }
0x68: {  	v28 =	vor.u32 $0x20, v19;
	vm0 =	vlt.f32 v47, v12;
	v49 =	vld.idx.msk [tilespmem:v22+s9+$0x0], $0xffff  }
0x69: {  	v22 =	vor.u32 $0x20, v20;
	v19 =	vsel vm0, v28, v19;
	vm0 =	vlt.f32 v48, v13;
	v50 =	vld.idx.msk [tilespmem:v24+s9+$0x0], $0xffff  }
0x6a: {  	v29 =	vor.u32 $0x10, v25;
	v28 =	vor.u32 $0xF, v19;
	v20 =	vsel vm0, v22, v20;
	v6 =	vld.idx.msk [tilespmem:v6+s9+$0x0], $0xffff  }
0x6b: {  	v22 =	vor.u32 $0xF, v20;
	v26 =	vld.idx.msk [tilespmem:v26+s9+$0x0], $0xffff;
	vm0 =	vlt.f32 v5, v4;
	v5 =	vadd.s32 $0x8, v7  }
0x6c: {  	v30 =	vor.u32 $0x10, v21;
	v51 =	vor.u32 $0x10, v10;
	v27 =	vld.idx.msk [tilespmem:v27+s9+$0x0], $0xffff;
	v5 =	vsel vm0, v5, v7  }
0x6d: {  	v24 =	vor.u32 $0x10, v23;
	vm0 =	vlt.f32 v49, v18;
	v31 =	vadd.s32 $0x3, v5  }
0x6e: {  	v7 =	vor.u32 $0x10, v9;
	v23 =	vsel vm0, v24, v23;
	vm0 =	vlt.f32 v50, v17  }
0x6f: {  	v52 =	vld.idx.msk [tilespmem:v28+s9+$0x0], $0xffff;
	v24 =	vadd.s32 $0x7, v23;
	v25 =	vsel vm0, v29, v25;
	vm0 =	vlt.f32 v6, v16  }
0x70: {  	v6 =	vld.idx.msk [tilespmem:v22+s9+$0x0], $0xffff;
	v22 =	vadd.s32 $0x7, v25;
	v21 =	vsel vm0, v30, v21;
	vm0 =	vlt.f32 v26, v14  }
0x71: {  	v26 =	vadd.s32 $0x7, v21;
	v7 =	vsel vm0, v7, v9;
	vm0 =	vlt.f32 v27, v15  }
0x72: {  	v27 =	vadd.s32 $0x7, v7;
	v10 =	vsel vm0, v51, v10;
	v53 =	vld.idx.msk [tilespmem:v31+s9+$0x0], $0xffff  }
0x73: {  	v11 =	vadd.s32 $0x7, v10  }
0x74: {  	v28 =	vor.u32 $0x10, v19;
	vm0 =	vlt.f32 v52, v12;
	v54 =	vld.idx.msk [tilespmem:v24+s9+$0x0], $0xffff  }
0x75: {  	v24 =	vor.u32 $0x10, v20;
	v19 =	vsel vm0, v28, v19;
	vm0 =	vlt.f32 v6, v13;
	v6 =	vld.idx.msk [tilespmem:v22+s9+$0x0], $0xffff  }
0x76: {  	v55 =	vadd.s32 $0x4, v5;
	v28 =	vadd.s32 $0x7, v19;
	v20 =	vsel vm0, v24, v20;
	v24 =	vld.idx.msk [tilespmem:v26+s9+$0x0], $0xffff  }
0x77: {  	v29 =	vadd.s32 $0x8, v25;
	v26 =	vadd.s32 $0x7, v20;
	v27 =	vld.idx.msk [tilespmem:v27+s9+$0x0], $0xffff;
	vm0 =	vlt.f32 v53, v4  }
0x78: {  	v30 =	vadd.s32 $0x8, v21;
	v56 =	vadd.s32 $0x8, v7;
	v11 =	vld.idx.msk [tilespmem:v11+s9+$0x0], $0xffff;
	v5 =	vsel vm0, v55, v5  }
0x79: {  	v22 =	vadd.s32 $0x8, v23;
	vm0 =	vlt.f32 v54, v18;
	v31 =	vadd.s32 $0x1, v5  }
0x7a: {  	v57 =	vadd.s32 $0x8, v10;
	v22 =	vsel vm0, v22, v23;
	vm0 =	vlt.f32 v6, v17  }
0x7b: {  	v6 =	vld.idx.msk [tilespmem:v28+s9+$0x0], $0xffff;
	v23 =	vadd.s32 $0x3, v22;
	v25 =	vsel vm0, v29, v25;
	vm0 =	vlt.f32 v24, v16  }
0x7c: {  	v24 =	vld.idx.msk [tilespmem:v26+s9+$0x0], $0xffff;
	v26 =	vadd.s32 $0x3, v25;
	v21 =	vsel vm0, v30, v21;
	vm0 =	vlt.f32 v27, v14  }
0x7d: {  	v27 =	vadd.s32 $0x3, v21;
	v7 =	vsel vm0, v56, v7;
	vm0 =	vlt.f32 v11, v15  }
0x7e: {  	v60 =	vadd.s32 $0x3, v7;
	v33 =	vsel vm0, v57, v10;
	v58 =	vld.idx.msk [tilespmem:v31+s9+$0x0], $0xffff  }
0x7f: {  	v8 =	vadd.s32 $0x3, v33  }
0x80: {  	v61 =	vadd.s32 $0x8, v19;
	v28 =	vadd.s32 $0x8, v20;
	vm0 =	vlt.f32 v6, v12;
	v6 =	vld.idx.msk [tilespmem:v23+s9+$0x0], $0xffff  }
0x81: {  	v63 =	vadd.s32 $0x2, v5;
	v31 =	vsel vm0, v61, v19;
	vm0 =	vlt.f32 v24, v13;
	v23 =	vld.idx.msk [tilespmem:v26+s9+$0x0], $0xffff  }
0x82: {  	v62 =	vadd.s32 $0x4, v22;
	v26 =	vadd.s32 $0x3, v31;
	v24 =	vsel vm0, v28, v20;
	v27 =	vld.idx.msk [tilespmem:v27+s9+$0x0], $0xffff  }
0x83: {  	v29 =	vadd.s32 $0x4, v21;
	v28 =	vadd.s32 $0x3, v24;
	v11 =	vld.idx.msk [tilespmem:v60+s9+$0x0], $0xffff;
	vm0 =	vlt.f32 v58, v4  }
0x84: {  	p1 =	por $0x1, $0x1;
	v34 =	vadd.s32 $0x4, v7;
	v41 =	vadd.s32 $0x4, v33;
	v8 =	vld.idx.msk [tilespmem:v8+s9+$0x0], $0xffff;
	v37 =	vsel vm0, v63, v5  }
.Ltmp1:
0x85: {  	v20 =	vadd.s32 $0x4, v25;
	v32 =	vadd.s32 $0x4, v31;
	vm0 =	vlt.f32 v6, v18;
	(pc) =	sbr.rel @!p1 .LBB2_4-.Ltmp1, $4  }
0x86: {  	v30 =	vadd.s32 $0x4, v24;
	v19 =	vsel vm0, v62, v22;
	vm0 =	vlt.f32 v23, v17  }
0x87: {  	v42 =	vld.idx.msk [tilespmem:v26+s9+$0x0], $0xffff;
	v35 =	vadd.s32 $0x1, v19;
	v20 =	vsel vm0, v20, v25;
	vm0 =	vlt.f32 v27, v16  }
0x88: {  	s19 =	simm.s32 $0x42C0;
	s20 =	simm.s32 $0xF0;
	v38 =	vld.idx.msk [tilespmem:v28+s9+$0x0], $0xffff;
	v36 =	vadd.s32 $0x1, v20;
	v21 =	vsel vm0, v29, v21;
	vm0 =	vlt.f32 v11, v14  }
0x89: {  	p0 =	por $0x0, $0x0;
	s17 =	simm.s32 $0x4AC0;
	s18 =	simm.s32 $0x46C0;
	v39 =	vadd.s32 $0x1, v21;
	v22 =	vsel vm0, v34, v7;
	vm0 =	vlt.f32 v8, v15;
	v43 =	vld.idx.msk [tilespmem:v37+s9+$0x0], $0xffff  }
0x8a: {  	s21 =	simm.s32 $0x90  }
0x8b: {  	s22 =	simm.s32 $0xE0;
	v5 =	vor.u32 s20, v0;
	v26 =	vsel vm0, v41, v33;
	s26 =	simm.s32 $0xA0;
	v6 =	vor.u32 s21, v0  }
0x8c: {  	s28 =	simm.s32 $0xB0;
	s29 =	simm.s32 $0x80;
	s30 =	simm.s32 $0xC0;
	v7 =	vor.u32 s22, v0;
	v8 =	vcvt.s32.f32 v5;
	v5 =	vor.u32 s26, v0  }
0x8d: {  	s31 =	simm.s32 $0xD0;
	v9 =	vor.u32 s28, v0;
	v10 =	vor.u32 s29, v0;
	v11 =	vor.u32 s30, v0  }
0x8e: {  	v27 =	vor.u32 s31, v0;
	v7 =	vcvt.s32.f32 v7;
	v10 =	vcvt.s32.f32 v10  }
0x8f: {  	v55 =	vadd.s32 $0x1, v26;
	v6 =	vcvt.s32.f32 v6;
	v5 =	vcvt.s32.f32 v5  }
0x90: {  	vm1 =	vlt.f32 v42, v12;
	v9 =	vcvt.s32.f32 v9;
	v34 =	vmul.f32 $5.859375000e-03, v8  }
0x91: {  	v23 =	vld.idx.msk [tilespmem:v59+s9+$0x0], $0xffff;
	v7 =	vmul.f32 $5.859375000e-03, v7;
	vm0 =	vlt.f32 v43, v4;
	v10 =	vmul.f32 $5.859375000e-03, v10  }
0x92: {  	v36 =	vld.idx.msk [tilespmem:v36+s9+$0x0], $0xffff;
	v6 =	vmul.f32 $5.859375000e-03, v6;
	v9 =	vmul.f32 $5.859375000e-03, v9;
	v25 =	vsel vm0, $0x1, v3  }
0x93: {  	vm0 =	vlt.f32 v38, v13;
	v4 =	vadd.f32 $-3.000000000e+00, v7;
	v7 =	vcvt.s32.f32 v11  }
0x94: {  	v11 =	vcvt.s32.f32 v27;
	v27 =	vmul.f32 $5.859375000e-03, v5;
	v5 =	vadd.f32 $-3.000000000e+00, v10  }
0x95: {  	v25 =	vadd.s32 v25, v37;
	v6 =	vadd.f32 $-3.000000000e+00, v6;
	v8 =	vadd.f32 $-3.000000000e+00, v9  }
0x96: {  	v24 =	vsel vm0, v30, v24;
	v30 =	vadd.s32 $0x1, v22;
	vm2 =	vlt.f32 v23, v4  }
0x97: {  	vm0 =	vlt.f32 v36, v17;
	v29 =	vmul.f32 $5.859375000e-03, v7;
	v28 =	vsel vm2, $0x80, v3  }
0x98: {  	v35 =	vld.idx.msk [tilespmem:v35+s9+$0x0], $0xffff;
	v11 =	vmul.f32 $5.859375000e-03, v11;
	v7 =	vadd.f32 $-3.000000000e+00, v27;
	v56 =	vor.u32 $0x3F, v28  }
0x99: {  	v27 =	vsel vm1, v32, v31;
	vm1 =	vlt.f32 v23, v5;
	vm4 =	vlt.f32 v23, v8  }
0x9a: {  	vm2 =	vlt.f32 v23, v6;
	v31 =	vsel vm1, $0x80, v3;
	v9 =	vadd.f32 $-3.000000000e+00, v29  }
0x9b: {  	v10 =	vadd.f32 $-3.000000000e+00, v11;
	vm3 =	vlt.f32 v23, v7;
	v11 =	vadd.f32 $-3.000000000e+00, v34  }
0x9c: {  	v32 =	vsel vm2, $0x80, v3;
	v34 =	vsel vm4, $0x80, v3;
	v57 =	vor.u32 $0x3F, v31  }
0x9d: {  	v48 =	vor.u32 $0x40, v31;
	vm2 =	vlt.f32 v35, v18;
	v35 =	vadd.s32 $0x1, v24;
	v29 =	vld.idx.msk [tilespmem:v56+s9+$0x0], $0xffff  }
0x9e: {  	v33 =	vsel vm3, $0x80, v3;
	v58 =	vor.u32 $0x3F, v32;
	v44 =	vor.u32 $0x3F, v34  }
0x9f: {  	v49 =	vor.u32 $0x40, v32;
	v51 =	vor.u32 $0x40, v34;
	vm5 =	vlt.f32 v23, v9  }
0xa0: {  	vm6 =	vlt.f32 v23, v10;
	vm1 =	vlt.f32 v23, v11;
	v60 =	vor.u32 $0x3F, v33  }
0xa1: {  	v23 =	vadd.s32 $0x1, v25;
	v50 =	vor.u32 $0x40, v33;
	v37 =	vsel vm5, $0x80, v3  }
0xa2: {  	v39 =	vld.idx.msk [tilespmem:v39+s9+$0x0], $0xffff;
	v41 =	vsel vm1, $0x80, v3;
	vm1 =	vlt.f32 v29, v4;
	v29 =	vor.u32 $0x40, v28  }
0xa3: {  	v40 =	vsel vm6, $0x80, v3;
	v45 =	vor.u32 $0x3F, v37;
	v38 =	vld.idx.msk [tilespmem:v57+s9+$0x0], $0xffff;
	v29 =	vsel vm1, v29, v28  }
0xa4: {  	v46 =	vor.u32 $0x3F, v40;
	v47 =	vor.u32 $0x3F, v41;
	v35 =	vld.idx.msk [tilespmem:v35+s9+$0x0], $0xffff;
	v52 =	vand.u32 $0x40, v29  }
0xa5: {  	v53 =	vor.u32 $0x40, v37;
	v54 =	vor.u32 $0x40, v40;
	v42 =	vld.idx.msk [tilespmem:v58+s9+$0x0], $0xffff;
	v28 =	vor.u32 v52, v28  }
0xa6: {  	v56 =	vadd.s32 $0x1, v27;
	v57 =	vadd.s32 $0x2, v20;
	v61 =	vld.idx.msk [tilespmem:v44+s9+$0x0], $0xffff;
	v28 =	vor.u32 $0x1F, v28  }
0xa7: {  	v44 =	vadd.s32 $0x2, v19;
	v58 =	vadd.s32 $0x2, v26;
	v20 =	vsel vm0, v57, v20;
	v43 =	vld.idx.msk [tilespmem:v60+s9+$0x0], $0xffff  }
0xa8: {  	v57 =	vadd.s32 $0x2, v24;
	v19 =	vsel vm2, v44, v19;
	vm3 =	vlt.f32 v38, v5  }
0xa9: {  	v62 =	vld.idx.msk [tilespmem:v45+s9+$0x0], $0xffff;
	vm12 =	vlt.f32 v35, v13;
	vm1 =	vlt.f32 v39, v16;
	v39 =	vadd.s32 $0x2, v21  }
0xaa: {  	v46 =	vld.idx.msk [tilespmem:v46+s9+$0x0], $0xffff;
	v45 =	vsel vm3, v48, v31;
	v48 =	vadd.s32 $0x2, v22;
	vm3 =	vlt.f32 v42, v6  }
0xab: {  	v35 =	vsel vm12, v57, v24;
	v63 =	vand.u32 $0x40, v45;
	v49 =	vsel vm3, v49, v32;
	v28 =	vld.idx.msk [tilespmem:v28+s9+$0x0], $0xffff  }
0xac: {  	v42 =	vor.u32 $0x20, v45;
	vm3 =	vlt.f32 v43, v7;
	v21 =	vsel vm1, v39, v21  }
0xad: {  	v52 =	vor.u32 $0x40, v41;
	v43 =	vsel vm3, v50, v33;
	vm3 =	vlt.f32 v61, v8  }
0xae: {  	v31 =	vor.u32 v63, v31;
	v50 =	vsel vm3, v51, v34;
	vm3 =	vlt.f32 v62, v9  }
0xaf: {  	v60 =	vand.u32 $0x40, v49;
	v51 =	vsel vm3, v53, v37;
	vm3 =	vlt.f32 v46, v10  }
0xb0: {  	v46 =	vsel vm3, v54, v40;
	vm3 =	vlt.f32 v28, v4;
	v28 =	vor.u32 $0x20, v29  }
0xb1: {  	v47 =	vld.idx.msk [tilespmem:v47+s9+$0x0], $0xffff;
	v32 =	vor.u32 v60, v32;
	v61 =	vand.u32 $0x40, v43;
	v29 =	vsel vm3, v28, v29  }
0xb2: {  	v30 =	vld.idx.msk [tilespmem:v30+s9+$0x0], $0xffff;
	v31 =	vor.u32 $0x1F, v31;
	v62 =	vand.u32 $0x40, v50;
	v63 =	vor.u32 $0xF, v29  }
0xb3: {  	v60 =	vld.idx.msk [tilespmem:v55+s9+$0x0], $0xffff;
	v33 =	vor.u32 v61, v33;
	v32 =	vor.u32 $0x1F, v32;
	v55 =	vor.u32 $0x20, v50  }
0xb4: {  	v61 =	vld.idx.msk [tilespmem:v56+s9+$0x0], $0xffff;
	v53 =	vand.u32 $0x40, v51;
	v34 =	vor.u32 v62, v34;
	v33 =	vor.u32 $0x1F, v33  }
0xb5: {  	v56 =	vor.u32 $0x20, v51;
	v37 =	vor.u32 v53, v37;
	v28 =	vand.u32 $0x40, v46  }
0xb6: {  	v34 =	vor.u32 $0x1F, v34;
	vm3 =	vlt.f32 v47, v11;
	v28 =	vor.u32 v28, v40  }
0xb7: {  	v37 =	vor.u32 $0x1F, v37;
	v52 =	vsel vm3, v52, v41;
	v62 =	vor.u32 $0x1F, v28;
	v28 =	vld.idx.msk [tilespmem:v63+s9+$0x0], $0xffff  }
0xb8: {  	v53 =	vor.u32 $0x20, v49;
	v31 =	vld.idx.msk [tilespmem:v31+s9+$0x0], $0xffff;
	vm2 =	vlt.f32 v60, v15;
	v54 =	vand.u32 $0x40, v52  }
0xb9: {  	vm11 =	vlt.f32 v61, v12;
	v32 =	vld.idx.msk [tilespmem:v32+s9+$0x0], $0xffff;
	vm3 =	vlt.f32 v30, v14;
	v36 =	vor.u32 v54, v41  }
0xba: {  	v33 =	vld.idx.msk [tilespmem:v33+s9+$0x0], $0xffff;
	v30 =	vor.u32 $0x20, v46;
	v61 =	vor.u32 $0x10, v29;
	v36 =	vor.u32 $0x1F, v36  }
0xbb: {  	v60 =	vld.idx.msk [tilespmem:v34+s9+$0x0], $0xffff;
	v44 =	vor.u32 $0x20, v52;
	v22 =	vsel vm3, v48, v22;
	v54 =	vor.u32 $0x20, v43  }
0xbc: {  	v63 =	vadd.s32 $0x2, v27;
	vm0 =	vlt.f32 v28, v4;
	v28 =	vsel vm2, v58, v26;
	v26 =	vld.idx.msk [tilespmem:v37+s9+$0x0], $0xffff  }
0xbd: {  	v34 =	vsel vm11, v63, v27;
	v27 =	vld.idx.msk [tilespmem:v62+s9+$0x0], $0xffff;
	v29 =	vsel vm0, v61, v29;
	vm0 =	vlt.f32 v31, v5  }
0xbe: {  	v39 =	vld.idx.msk [tilespmem:v21+s9+$0x0], $0xffff;
	v62 =	vadd.s32 $0x7, v29;
	v31 =	vsel vm0, v42, v45;
	vm0 =	vlt.f32 v32, v6  }
0xbf: {  	v24 =	vld.idx.msk [tilespmem:v36+s9+$0x0], $0xffff;
	v63 =	vor.u32 $0xF, v31;
	v38 =	vsel vm0, v53, v49;
	vm0 =	vlt.f32 v33, v7  }
0xc0: {  	v32 =	vld.idx.msk [tilespmem:v19+s9+$0x0], $0xffff;
	v57 =	vor.u32 $0xF, v38;
	v41 =	vsel vm0, v54, v43;
	vm0 =	vlt.f32 v60, v8  }
0xc1: {  	v33 =	vld.idx.msk [tilespmem:v20+s9+$0x0], $0xffff;
	v58 =	vor.u32 $0xF, v41;
	v43 =	vsel vm0, v55, v50;
	vm0 =	vlt.f32 v26, v9  }
0xc2: {  	v50 =	vor.u32 $0x10, v38;
	v45 =	vsel vm0, v56, v51;
	vm0 =	vlt.f32 v27, v10;
	v27 =	vld.idx.msk [tilespmem:v22+s9+$0x0], $0xffff  }
0xc3: {  	v60 =	vor.u32 $0x10, v41;
	v37 =	vor.u32 $0xF, v43;
	v53 =	vor.u32 $0x10, v43;
	v26 =	vld.idx.msk [tilespmem:v62+s9+$0x0], $0xffff  }
0xc4: {  	v48 =	vor.u32 $0xF, v45;
	v30 =	vsel vm0, v30, v46;
	vm0 =	vlt.f32 v24, v11;
	v24 =	vld.idx.msk [tilespmem:v28+s9+$0x0], $0xffff  }
0xc5: {  	v46 =	vor.u32 $0x10, v31;
	v61 =	vor.u32 $0x10, v45;
	vm2 =	vlt.f32 v32, v18;
	v36 =	vld.idx.msk [tilespmem:v63+s9+$0x0], $0xffff  }
0xc6: {  	v47 =	vld.idx.msk [tilespmem:v25+s9+$0x0], $0xffff;
	v49 =	vor.u32 $0xF, v30;
	v44 =	vsel vm0, v44, v52;
	v62 =	vor.u32 $0x10, v30  }
0xc7: {  	vm3 =	vlt.f32 v33, v17;
	v52 =	vor.u32 $0xF, v44;
	v40 =	vld.idx.msk [tilespmem:v57+s9+$0x0], $0xffff;
	v63 =	vor.u32 $0x10, v44  }
0xc8: {  	v42 =	vld.idx.msk [tilespmem:v58+s9+$0x0], $0xffff;
	vm1 =	vlt.f32 v27, v14;
	vm0 =	vlt.f32 v26, v4;
	v26 =	vadd.s32 $0x8, v29  }
0xc9: {  	v27 =	vsel vm3, $0x1, v3;
	v26 =	vsel vm0, v26, v29;
	vm0 =	vlt.f32 v39, v16  }
0xca: {  	v37 =	vld.idx.msk [tilespmem:v37+s9+$0x0], $0xffff;
	vm13 =	vlt.f32 v36, v5;
	v16 =	vsel vm2, $0x1, v3;
	vm2 =	vlt.f32 v24, v15  }
0xcb: {  	v17 =	vld.idx.msk [tilespmem:v48+s9+$0x0], $0xffff;
	v36 =	vsel vm1, $0x1, v3;
	v18 =	vadd.s32 $0x3, v26;
	v24 =	vsel vm13, v46, v31  }
0xcc: {  	v49 =	vld.idx.msk [tilespmem:v49+s9+$0x0], $0xffff;
	vm14 =	vlt.f32 v40, v6;
	v14 =	vsel vm0, $0x1, v3;
	v40 =	vadd.s32 v16, v19  }
0xcd: {  	[tilespmem:s19+$0x20] =	vst v47;
	v57 =	vld.idx.msk [tilespmem:v52+s9+$0x0], $0xffff;
	v29 =	vadd.s32 $0x7, v24;
	v31 =	vsel vm14, v50, v38;
	vm3 =	vlt.f32 v42, v7  }
0xce: {  	v15 =	vld.idx.msk [tilespmem:v25+s7+$0x0], $0xffff;
	v25 =	vadd.s32 $0x8, v24;
	v58 =	vadd.s32 $0x7, v31;
	v33 =	vsel vm3, v60, v41  }
0xcf: {  	v50 =	vsel vm2, $0x1, v3;
	vm3 =	vlt.f32 v37, v8;
	v60 =	vld.idx.msk [tilespmem:v34+s9+$0x0], $0xffff;
	v52 =	vadd.s32 $0x7, v33  }
0xd0: {  	v38 =	vsel vm3, v53, v43;
	vm3 =	vlt.f32 v17, v9;
	v53 =	vld.idx.msk [tilespmem:v35+s9+$0x0], $0xffff;
	v43 =	vadd.s32 $0x8, v31  }
0xd1: {  	v39 =	vsel vm3, v61, v45;
	vm3 =	vlt.f32 v49, v10;
	v17 =	vld.idx.msk [tilespmem:v18+s9+$0x0], $0xffff;
	v18 =	vadd.s32 $0x7, v38  }
0xd2: {  	v54 =	vadd.s32 $0x7, v39;
	v30 =	vsel vm3, v62, v30;
	vm3 =	vlt.f32 v57, v11;
	v29 =	vld.idx.msk [tilespmem:v29+s9+$0x0], $0xffff  }
0xd3: {  	v62 =	vadd.s32 $0x8, v38;
	v55 =	vadd.s32 $0x7, v30;
	v42 =	vsel vm3, v63, v44;
	v32 =	vld.idx.msk [tilespmem:v58+s9+$0x0], $0xffff  }
0xd4: {  	v44 =	vadd.s32 $0x8, v33;
	v63 =	vadd.s32 $0x8, v39;
	v56 =	vadd.s32 $0x8, v30;
	v37 =	vld.idx.msk [tilespmem:v52+s9+$0x0], $0xffff  }
0xd5: {  	v61 =	vadd.s32 $0x7, v42;
	v57 =	vadd.s32 $0x8, v42;
	vm15 =	vlt.f32 v53, v13  }
0xd6: {  	v52 =	vsel vm15, $0x1, v3;
	vm3 =	vlt.f32 v17, v4;
	v17 =	vadd.s32 $0x4, v26;
	v18 =	vld.idx.msk [tilespmem:v18+s9+$0x0], $0xffff  }
0xd7: {  	v58 =	vld.idx.msk [tilespmem:v54+s9+$0x0], $0xffff;
	v17 =	vsel vm3, v17, v26;
	vm3 =	vlt.f32 v60, v12;
	vm0 =	vlt.f32 v29, v5  }
0xd8: {  	v26 =	vld.idx.msk [tilespmem:v55+s9+$0x0], $0xffff;
	v60 =	vadd.s32 $0x1, v17;
	v45 =	vsel vm0, v25, v24;
	vm0 =	vlt.f32 v32, v6  }
0xd9: {  	v51 =	vsel vm3, $0x1, v3;
	v43 =	vsel vm0, v43, v31;
	vm0 =	vlt.f32 v37, v7  }
0xda: {  	v29 =	vld.idx.msk [tilespmem:v61+s9+$0x0], $0xffff;
	v25 =	vadd.s32 $0x3, v45;
	v61 =	vadd.s32 $0x3, v43;
	v44 =	vsel vm0, v44, v33  }
0xdb: {  	v48 =	vadd.s32 $0x4, v43;
	vm0 =	vlt.f32 v18, v8;
	v18 =	vadd.s32 $0x3, v44  }
0xdc: {  	v46 =	vsel vm0, v62, v38;
	vm0 =	vlt.f32 v58, v9;
	v38 =	vadd.s32 $0x4, v45  }
0xdd: {  	[tilespmem:s18+$0x20] =	vst v15;
	v62 =	vld.idx.msk [tilespmem:v60+s9+$0x0], $0xffff;
	v13 =	vadd.s32 $0x3, v46;
	v33 =	vsel vm0, v63, v39;
	vm0 =	vlt.f32 v26, v10  }
0xde: {  	v39 =	vld.idx.msk [tilespmem:v23+s7+$0x0], $0xffff;
	v26 =	vadd.s32 v27, v20;
	v27 =	vadd.s32 v14, v21;
	v63 =	vadd.s32 $0x3, v33  }
0xdf: {  	v31 =	vsel vm0, v56, v30;
	vm0 =	vlt.f32 v29, v11;
	v23 =	vld.idx.msk [tilespmem:v25+s9+$0x0], $0xffff;
	v41 =	vadd.s32 $0x4, v33  }
0xe0: {  	v29 =	vadd.s32 v36, v22;
	v47 =	vadd.s32 $0x3, v31;
	v24 =	vsel vm0, v57, v42;
	v60 =	vld.idx.msk [tilespmem:v61+s9+$0x0], $0xffff  }
0xe1: {  	v25 =	vadd.s32 v50, v28;
	v28 =	vadd.s32 v51, v34;
	v58 =	vadd.s32 $0x3, v24;
	v18 =	vld.idx.msk [tilespmem:v18+s9+$0x0], $0xffff  }
0xe2: {  	v34 =	vadd.s32 $0x1, v40;
	vm0 =	vlt.f32 v62, v4;
	v62 =	vadd.s32 $0x2, v17;
	v13 =	vld.idx.msk [tilespmem:v13+s9+$0x0], $0xffff  }
0xe3: {  	p1 =	por $0x1, $0x1;
	v57 =	vadd.s32 $0x4, v44;
	v61 =	vadd.s32 $0x4, v46;
	v37 =	vsel vm0, v62, v17;
	v63 =	vld.idx.msk [tilespmem:v63+s9+$0x0], $0xffff  }
.Ltmp2:
0xe4: {  	v32 =	vadd.s32 $0x4, v31;
	v30 =	vadd.s32 $0x4, v24;
	vm0 =	vlt.f32 v23, v5;
	(pc) =	sbr.rel @!p1 .LBB2_6-.Ltmp2, $4  }
0xe5: {  	v23 =	vadd.s32 v52, v35;
	v42 =	vld.idx.msk [tilespmem:v47+s9+$0x0], $0xffff;
	v19 =	vsel vm0, v38, v45;
	vm0 =	vlt.f32 v60, v6  }
0xe6: {  	s25 =	simm.s32 $0x8;
	p0 =	por $0x1, $0x1;
	v38 =	vld.idx.msk [tilespmem:v58+s9+$0x0], $0xffff;
	v35 =	vadd.s32 $0x1, v19;
	v20 =	vsel vm0, v48, v43;
	vm0 =	vlt.f32 v18, v7  }
0xe7: {  	s24 =	simm.s32 $0x42C0;
	s23 =	simm.s32 $0x46C0;
	s20 =	simm.s32 $0x4AC0;
	v36 =	vadd.s32 $0x1, v20;
	v21 =	vsel vm0, v57, v44;
	v44 =	vld.idx.msk [tilespmem:v40+s9+$0x0], $0xffff;
	vm0 =	vlt.f32 v13, v8  }
0xe8: {  	s26 =	simm.s32 $0x170;
	s22 =	simm.s32 $0x46C0;
	s21 =	simm.s32 $0x4AC0;
	[tilespmem:s17+$0x20] =	vst v39;
	v39 =	vadd.s32 $0x1, v21;
	v43 =	vld.idx.msk [tilespmem:v37+s9+$0x0], $0xffff;
	v22 =	vsel vm0, v61, v46;
	vm0 =	vlt.f32 v63, v9  }
.LBB2_7:
0xe9: {  	s28 =	sadd.s32 $0xFFFFFFA0, s26;
	v12 =	vor.u32 s26, v0  }
0xea: {  	s29 =	sadd.s32 $0xFFFFFFF0, s26;
	s25 =	sadd.s32 $0x8, s25;
	v33 =	vsel vm0, v41, v33;
	vm1 =	vlt.f32 v42, v10;
	v13 =	vld.idx.msk [tilespmem:v26+s9+$0x0], $0xffff;
	s30 =	sadd.s32 $0xFFFFFFC0, s26;
	v14 =	vor.u32 s28, v0  }
0xeb: {  	s28 =	sadd.s32 $0xFFFFFFB0, s26;
	v15 =	vor.u32 s29, v0;
	v12 =	vcvt.s32.f32 v12;
	p1 =	slt.u32 s25, $0x38;
	v16 =	vld.idx.msk [tilespmem:v27+s9+$0x0], $0xffff;
	v18 =	vor.u32 s30, v0  }
0xec: {  	s29 =	sadd.s32 $0xFFFFFF90, s26;
	s30 =	sadd.s32 $0xFFFFFFE0, s26;
	v31 =	vsel vm1, v32, v31;
	v42 =	vld.idx.msk [tilespmem:v59+s9+$0x0], $0xffff;
	v17 =	vor.u32 s28, v0;
	s28 =	sadd.s32 $0xFFFFFFD0, s26;
	v15 =	vcvt.s32.f32 v15  }
0xed: {  	v41 =	vor.u32 s29, v0;
	v46 =	vor.u32 s30, v0;
	v45 =	vor.u32 s28, v0;
	v35 =	vld.idx.msk [tilespmem:v35+s9+$0x0], $0xffff  }
0xee: {  	v47 =	vcvt.s32.f32 v41;
	vm0 =	vlt.f32 v43, v4;
	v15 =	vmul.f32 $5.859375000e-03, v15;
	v41 =	vld.idx.msk [tilespmem:v36+s9+$0x0], $0xffff  }
0xef: {  	v14 =	vcvt.s32.f32 v14;
	v17 =	vcvt.s32.f32 v17;
	v36 =	vld.idx.msk [tilespmem:v39+s9+$0x0], $0xffff;
	v39 =	vsel vm0, $0x1, v3;
	[tilespmem:s24+$0xFFFFFFC0] =	vst v44  }
0xf0: {  	v18 =	vcvt.s32.f32 v18;
	v4 =	vadd.f32 $-3.000000000e+00, v15;
	v37 =	vadd.s32 v39, v37;
	[tilespmem:s24+$0xFFFFFFD0] =	vst v13;
	v13 =	vld.idx.msk [tilespmem:v29+s9+$0x0], $0xffff  }
0xf1: {  	vm0 =	vlt.f32 v38, v11;
	v15 =	vcvt.s32.f32 v45;
	v39 =	vcvt.s32.f32 v46;
	[tilespmem:s24+$0xFFFFFFE0] =	vst v16;
	v38 =	vld.idx.msk [tilespmem:v25+s9+$0x0], $0xffff  }
0xf2: {  	v14 =	vmul.f32 $5.859375000e-03, v14;
	v16 =	vmul.f32 $5.859375000e-03, v47;
	vm2 =	vlt.f32 v42, v4;
	v43 =	vld.idx.msk [tilespmem:v28+s9+$0x0], $0xffff  }
0xf3: {  	v44 =	vmul.f32 $5.859375000e-03, v17;
	v45 =	vmul.f32 $5.859375000e-03, v18;
	v46 =	vsel vm2, $0x80, v3;
	v47 =	vld.idx.msk [tilespmem:v23+s9+$0x0], $0xffff  }
0xf4: {  	v15 =	vmul.f32 $5.859375000e-03, v15;
	v39 =	vmul.f32 $5.859375000e-03, v39;
	v48 =	vor.u32 $0x3F, v46;
	v40 =	vld.idx.msk [tilespmem:v40+s7+$0x0], $0xffff  }
0xf5: {  	v49 =	vmul.f32 $5.859375000e-03, v12;
	v17 =	vadd.f32 $-3.000000000e+00, v14;
	v18 =	vadd.f32 $-3.000000000e+00, v16;
	v50 =	vld.idx.msk [tilespmem:v37+s9+$0x0], $0xffff  }
0xf6: {  	v24 =	vsel vm0, v30, v24;
	v14 =	vadd.f32 $-3.000000000e+00, v45;
	v16 =	vadd.f32 $-3.000000000e+00, v44;
	v32 =	vld.idx.msk [tilespmem:v26+s7+$0x0], $0xffff;
	[tilespmem:s24+$0xFFFFFFF0] =	vst v13  }
0xf7: {  	v15 =	vadd.f32 $-3.000000000e+00, v15;
	v12 =	vadd.f32 $-3.000000000e+00, v39;
	vm1 =	vlt.f32 v42, v18;
	v39 =	vld.idx.msk [tilespmem:v27+s7+$0x0], $0xffff;
	[tilespmem:s24+$0x0] =	vst v38  }
0xf8: {  	vm2 =	vlt.f32 v42, v17;
	vm3 =	vlt.f32 v42, v16;
	v13 =	vadd.f32 $-3.000000000e+00, v49;
	v38 =	vld.idx.msk [tilespmem:v29+s7+$0x0], $0xffff;
	[tilespmem:s24+$0x10] =	vst v43  }
0xf9: {  	vm4 =	vlt.f32 v42, v14;
	vm5 =	vlt.f32 v42, v15;
	vm6 =	vlt.f32 v42, v12;
	v43 =	vld.idx.msk [tilespmem:v48+s9+$0x0], $0xffff  }
0xfa: {  	v45 =	vsel vm2, $0x80, v3;
	v44 =	vsel vm1, $0x80, v3;
	vm1 =	vlt.f32 v42, v13;
	v42 =	vld.idx.msk [tilespmem:v25+s7+$0x0], $0xffff;
	[tilespmem:s24+$0x30] =	vst v47;
	s24 =	sadd.s32 $0x80, s24  }
0xfb: {  	v49 =	vsel vm5, $0x80, v3;
	v48 =	vsel vm4, $0x80, v3;
	v47 =	vsel vm3, $0x80, v3;
	[tilespmem:s24+$0x20] =	vst v50;
	v50 =	vld.idx.msk [tilespmem:v28+s7+$0x0], $0xffff  }
0xfc: {  	v51 =	vor.u32 $0x3F, v44;
	v52 =	vsel vm6, $0x80, v3;
	v53 =	vsel vm1, $0x80, v3;
	v54 =	vld.idx.msk [tilespmem:v37+s7+$0x0], $0xffff;
	[tilespmem:s22+$0xFFFFFFC0] =	vst v40  }
0xfd: {  	v56 =	vor.u32 $0x3F, v48;
	v55 =	vor.u32 $0x3F, v47;
	v40 =	vor.u32 $0x3F, v45;
	[tilespmem:s22+$0xFFFFFFD0] =	vst v32;
	v32 =	vld.idx.msk [tilespmem:v23+s7+$0x0], $0xffff  }
0xfe: {  	v57 =	vor.u32 $0x3F, v49;
	v58 =	vor.u32 $0x3F, v52;
	v37 =	vadd.s32 $0x1, v37;
	v34 =	vld.idx.msk [tilespmem:v34+s7+$0x0], $0xffff;
	[tilespmem:s22+$0xFFFFFFE0] =	vst v39  }
0xff: {  	vm1 =	vlt.f32 v43, v4;
	v39 =	vor.u32 $0x40, v46;
	v43 =	vor.u32 $0x3F, v53;
	[tilespmem:s22+$0xFFFFFFF0] =	vst v38  }
0x100: {  	v59 =	vor.u32 $0x40, v45;
	v38 =	vor.u32 $0x40, v44;
	v39 =	vsel vm1, v39, v46;
	[tilespmem:s22+$0x0] =	vst v42  }
0x101: {  	v60 =	vor.u32 $0x40, v48;
	v61 =	vand.u32 $0x40, v39;
	s22 =	sadd.s32 $0x80, s22;
	v42 =	vld.idx.msk [tilespmem:v51+s9+$0x0], $0xffff;
	v51 =	vor.u32 $0x40, v47;
	[tilespmem:s23+$0x10] =	vst v50  }
0x102: {  	v62 =	vor.u32 $0x40, v52;
	v50 =	vor.u32 $0x40, v49;
	v46 =	vor.u32 v61, v46;
	v40 =	vld.idx.msk [tilespmem:v40+s9+$0x0], $0xffff;
	[tilespmem:s22+$0x20] =	vst v54  }
0x103: {  	vm0 =	vlt.f32 v35, v5;
	v46 =	vor.u32 $0x1F, v46;
	v54 =	vor.u32 $0x40, v53;
	v37 =	vld.idx.msk [tilespmem:v37+s7+$0x0], $0xffff;
	[tilespmem:s23+$0x30] =	vst v32;
	s23 =	smov.u32 s22  }
0x104: {  	v61 =	vadd.s32 $0x1, v31;
	v32 =	vadd.s32 $0x1, v22;
	v30 =	vld.idx.msk [tilespmem:v55+s9+$0x0], $0xffff;
	v55 =	vadd.s32 $0x1, v33;
	[tilespmem:s21+$0xFFFFFFC0] =	vst v34  }
0x105: {  	v35 =	vadd.s32 $0x1, v24;
	vm2 =	vlt.f32 v36, v7;
	vm1 =	vlt.f32 v41, v6;
	v34 =	vld.idx.msk [tilespmem:v56+s9+$0x0], $0xffff  }
0x106: {  	v26 =	vadd.s32 $0x1, v26;
	v56 =	vadd.s32 $0x2, v19;
	v41 =	vld.idx.msk [tilespmem:v57+s9+$0x0], $0xffff;
	v57 =	vadd.s32 $0x2, v20  }
0x107: {  	vm3 =	vlt.f32 v42, v18;
	v42 =	vadd.s32 $0x2, v21;
	v36 =	vld.idx.msk [tilespmem:v58+s9+$0x0], $0xffff;
	v58 =	vadd.s32 $0x2, v22  }
0x108: {  	s21 =	sadd.s32 $0x80, s21;
	v38 =	vsel vm3, v38, v44;
	vm3 =	vlt.f32 v40, v17;
	v40 =	vld.idx.msk [tilespmem:v46+s9+$0x0], $0xffff;
	v46 =	vadd.s32 $0x2, v33  }
0x109: {  	v63 =	vand.u32 $0x40, v38;
	v2 =	vor.u32 $0x20, v38;
	v59 =	vsel vm3, v59, v45;
	v43 =	vld.idx.msk [tilespmem:v43+s9+$0x0], $0xffff;
	[tilespmem:s21+$0x20] =	vst v37  }
0x10a: {  	v37 =	vor.u32 v63, v44;
	v44 =	vand.u32 $0x40, v59;
	vm3 =	vlt.f32 v30, v16;
	v30 =	vld.idx.msk [tilespmem:v32+s9+$0x0], $0xffff  }
0x10b: {  	v32 =	vor.u32 v44, v45;
	v44 =	vsel vm3, v51, v47;
	vm3 =	vlt.f32 v34, v14;
	v34 =	vld.idx.msk [tilespmem:v55+s9+$0x0], $0xffff  }
0x10c: {  	v45 =	vand.u32 $0x40, v44;
	v51 =	vsel vm3, v60, v48;
	vm3 =	vlt.f32 v41, v15;
	v41 =	vld.idx.msk [tilespmem:v61+s9+$0x0], $0xffff  }
0x10d: {  	v55 =	vand.u32 $0x40, v51;
	v50 =	vsel vm3, v50, v49;
	vm3 =	vlt.f32 v36, v12;
	v35 =	vld.idx.msk [tilespmem:v35+s9+$0x0], $0xffff  }
0x10e: {  	v36 =	vor.u32 $0x20, v39;
	v60 =	vsel vm3, v62, v52;
	vm3 =	vlt.f32 v40, v4  }
0x10f: {  	v40 =	vand.u32 $0x40, v50;
	v36 =	vsel vm3, v36, v39;
	vm3 =	vlt.f32 v43, v13  }
0x110: {  	v39 =	vand.u32 $0x40, v60;
	v43 =	vor.u32 $0xF, v36;
	v54 =	vsel vm3, v54, v53  }
0x111: {  	v45 =	vor.u32 v45, v47;
	v47 =	vor.u32 v55, v48;
	v48 =	vand.u32 $0x40, v54  }
0x112: {  	v40 =	vor.u32 v40, v49;
	v39 =	vor.u32 v39, v52;
	v48 =	vor.u32 v48, v53  }
0x113: {  	v37 =	vor.u32 $0x1F, v37;
	v32 =	vor.u32 $0x1F, v32;
	v45 =	vor.u32 $0x1F, v45  }
0x114: {  	v47 =	vor.u32 $0x1F, v47;
	v40 =	vor.u32 $0x1F, v40;
	v39 =	vor.u32 $0x1F, v39  }
0x115: {  	v49 =	vor.u32 $0x20, v59;
	v52 =	vor.u32 $0x20, v44;
	v48 =	vor.u32 $0x1F, v48;
	v43 =	vld.idx.msk [tilespmem:v43+s9+$0x0], $0xffff  }
0x116: {  	v55 =	vor.u32 $0x20, v50;
	v61 =	vor.u32 $0x20, v60;
	v53 =	vor.u32 $0x20, v51  }
0x117: {  	vm3 =	vlt.f32 v30, v8;
	v62 =	vor.u32 $0x20, v54;
	vm4 =	vlt.f32 v34, v9  }
0x118: {  	vm5 =	vlt.f32 v41, v10;
	vm6 =	vlt.f32 v35, v11;
	v30 =	vld.idx.msk [tilespmem:v37+s9+$0x0], $0xffff;
	v37 =	vadd.s32 $0x2, v31  }
0x119: {  	v19 =	vsel vm0, v56, v19;
	v20 =	vsel vm1, v57, v20;
	v41 =	vadd.s32 $0x2, v24;
	v32 =	vld.idx.msk [tilespmem:v32+s9+$0x0], $0xffff  }
0x11a: {  	v21 =	vsel vm2, v42, v21;
	v22 =	vsel vm3, v58, v22;
	v34 =	vsel vm4, v46, v33;
	v45 =	vld.idx.msk [tilespmem:v45+s9+$0x0], $0xffff  }
0x11b: {  	v42 =	vor.u32 $0x10, v36;
	v35 =	vsel vm5, v37, v31;
	vm0 =	vlt.f32 v43, v4;
	v33 =	vld.idx.msk [tilespmem:v47+s9+$0x0], $0xffff  }
0x11c: {  	v27 =	vadd.s32 $0x1, v27;
	v37 =	vsel vm0, v42, v36;
	v36 =	vsel vm6, v41, v24;
	v31 =	vld.idx.msk [tilespmem:v40+s9+$0x0], $0xffff  }
0x11d: {  	v29 =	vadd.s32 $0x1, v29;
	v40 =	vadd.s32 $0x7, v37;
	v39 =	vld.idx.msk [tilespmem:v39+s9+$0x0], $0xffff;
	vm0 =	vlt.f32 v30, v18  }
0x11e: {  	v25 =	vadd.s32 $0x1, v25;
	v24 =	vadd.s32 $0x1, v28;
	v30 =	vld.idx.msk [tilespmem:v48+s9+$0x0], $0xffff;
	v2 =	vsel vm0, v2, v38  }
0x11f: {  	v23 =	vadd.s32 $0x1, v23;
	vm0 =	vlt.f32 v32, v17;
	v28 =	vld.idx.msk [tilespmem:v19+s9+$0x0], $0xffff;
	v32 =	vor.u32 $0xF, v2  }
0x120: {  	v38 =	vsel vm0, v49, v59;
	v59 =	vimm.s32 $0x7F;
	vm0 =	vlt.f32 v45, v16;
	v41 =	vld.idx.msk [tilespmem:v20+s9+$0x0], $0xffff  }
0x121: {  	v42 =	vor.u32 $0xF, v38;
	v43 =	vsel vm0, v52, v44;
	vm0 =	vlt.f32 v33, v14;
	v33 =	vld.idx.msk [tilespmem:v21+s9+$0x0], $0xffff  }
0x122: {  	v44 =	vor.u32 $0xF, v43;
	v45 =	vsel vm0, v53, v51;
	vm0 =	vlt.f32 v31, v15;
	v31 =	vld.idx.msk [tilespmem:v40+s9+$0x0], $0xffff  }
0x123: {  	v40 =	vor.u32 $0xF, v45;
	v46 =	vsel vm0, v55, v50;
	vm0 =	vlt.f32 v39, v12;
	v39 =	vld.idx.msk [tilespmem:v22+s9+$0x0], $0xffff  }
0x124: {  	v47 =	vor.u32 $0xF, v46;
	v48 =	vsel vm0, v61, v60;
	vm0 =	vlt.f32 v30, v13;
	v30 =	vld.idx.msk [tilespmem:v34+s9+$0x0], $0xffff  }
0x125: {  	v49 =	vor.u32 $0x10, v2;
	v50 =	vor.u32 $0xF, v48;
	v51 =	vsel vm0, v62, v54;
	v32 =	vld.idx.msk [tilespmem:v32+s9+$0x0], $0xffff  }
0x126: {  	v52 =	vor.u32 $0x10, v38;
	v53 =	vor.u32 $0x10, v43;
	v54 =	vor.u32 $0xF, v51;
	v42 =	vld.idx.msk [tilespmem:v42+s9+$0x0], $0xffff  }
0x127: {  	v55 =	vor.u32 $0x10, v45;
	v56 =	vor.u32 $0x10, v46;
	v57 =	vor.u32 $0x10, v48;
	v44 =	vld.idx.msk [tilespmem:v44+s9+$0x0], $0xffff  }
0x128: {  	v58 =	vor.u32 $0x10, v51;
	vm0 =	vlt.f32 v31, v4;
	v31 =	vadd.s32 $0x8, v37;
	v40 =	vld.idx.msk [tilespmem:v40+s9+$0x0], $0xffff  }
0x129: {  	vm3 =	vlt.f32 v41, v6;
	v31 =	vsel vm0, v31, v37;
	vm0 =	vlt.f32 v28, v5;
	v47 =	vld.idx.msk [tilespmem:v47+s9+$0x0], $0xffff  }
0x12a: {  	vm1 =	vlt.f32 v33, v7;
	vm2 =	vlt.f32 v39, v8;
	v5 =	vmovc v18;
	v37 =	vadd.s32 $0x3, v31;
	v28 =	vld.idx.msk [tilespmem:v50+s9+$0x0], $0xffff  }
0x12b: {  	v6 =	vmovc v17;
	v18 =	vsel vm0, $0x1, v3;
	vm0 =	vlt.f32 v30, v9;
	vm4 =	vlt.f32 v32, v5;
	v32 =	vld.idx.msk [tilespmem:v54+s9+$0x0], $0xffff  }
0x12c: {  	v17 =	vsel vm3, $0x1, v3;
	v7 =	vmovc v16;
	v2 =	vsel vm4, v49, v2;
	vm4 =	vlt.f32 v42, v6;
	v30 =	vld.idx.msk [tilespmem:v35+s9+$0x0], $0xffff  }
0x12d: {  	v8 =	vmovc v14;
	v16 =	vadd.s32 $0x7, v2;
	v33 =	vsel vm4, v52, v38;
	vm3 =	vlt.f32 v44, v7;
	v38 =	vld.idx.msk [tilespmem:v36+s9+$0x0], $0xffff  }
0x12e: {  	v9 =	vmovc v15;
	v14 =	vadd.s32 $0x7, v33;
	v39 =	vsel vm3, v53, v43;
	vm3 =	vlt.f32 v40, v8;
	v26 =	vld.idx.msk [tilespmem:v26+s7+$0x0], $0xffff  }
0x12f: {  	v15 =	vadd.s32 $0x7, v39;
	v40 =	vsel vm3, v55, v45;
	vm3 =	vlt.f32 v47, v9;
	v37 =	vld.idx.msk [tilespmem:v37+s9+$0x0], $0xffff  }
0x130: {  	v41 =	vadd.s32 $0x7, v40;
	v42 =	vsel vm3, v56, v46;
	vm3 =	vlt.f32 v28, v12;
	v27 =	vld.idx.msk [tilespmem:v27+s7+$0x0], $0xffff  }
0x131: {  	v28 =	vadd.s32 $0x7, v42;
	v43 =	vsel vm3, v57, v48;
	vm3 =	vlt.f32 v32, v13;
	v29 =	vld.idx.msk [tilespmem:v29+s7+$0x0], $0xffff  }
0x132: {  	v32 =	vadd.s32 $0x8, v2;
	v44 =	vadd.s32 $0x7, v43;
	v45 =	vsel vm3, v58, v51;
	v16 =	vld.idx.msk [tilespmem:v16+s9+$0x0], $0xffff  }
0x133: {  	v47 =	vadd.s32 $0x8, v39;
	v46 =	vadd.s32 $0x8, v33;
	v48 =	vadd.s32 $0x7, v45;
	v14 =	vld.idx.msk [tilespmem:v14+s9+$0x0], $0xffff  }
0x134: {  	v49 =	vadd.s32 $0x8, v40;
	v50 =	vadd.s32 $0x8, v42;
	v51 =	vadd.s32 $0x8, v43;
	v15 =	vld.idx.msk [tilespmem:v15+s9+$0x0], $0xffff;
	[tilespmem:s20+$0xFFFFFFD0] =	vst v26  }
0x135: {  	vm3 =	vlt.f32 v37, v4;
	v37 =	vadd.s32 $0x4, v31;
	v26 =	vld.idx.msk [tilespmem:v41+s9+$0x0], $0xffff;
	v41 =	vadd.s32 $0x8, v45  }
0x136: {  	vm4 =	vlt.f32 v38, v11;
	v37 =	vsel vm3, v37, v31;
	vm3 =	vlt.f32 v30, v10;
	v28 =	vld.idx.msk [tilespmem:v28+s9+$0x0], $0xffff  }
0x137: {  	v38 =	vsel vm1, $0x1, v3;
	v11 =	vmovc v13;
	v10 =	vmovc v12;
	v31 =	vadd.s32 $0x1, v37;
	v30 =	vld.idx.msk [tilespmem:v44+s9+$0x0], $0xffff;
	v44 =	vsel vm2, $0x1, v3;
	[tilespmem:s20+$0xFFFFFFE0] =	vst v27  }
0x138: {  	v13 =	vsel vm0, $0x1, v3;
	vm1 =	vlt.f32 v16, v5;
	v16 =	vsel vm3, $0x1, v3;
	v12 =	vld.idx.msk [tilespmem:v48+s9+$0x0], $0xffff;
	[tilespmem:s20+$0xFFFFFFF0] =	vst v29  }
0x139: {  	v2 =	vsel vm1, v32, v2;
	vm0 =	vlt.f32 v14, v6;
	v14 =	vsel vm4, $0x1, v3;
	v25 =	vld.idx.msk [tilespmem:v25+s7+$0x0], $0xffff  }
0x13a: {  	v27 =	vadd.s32 $0x3, v2;
	v46 =	vsel vm0, v46, v33;
	vm0 =	vlt.f32 v15, v7;
	v15 =	vld.idx.msk [tilespmem:v24+s7+$0x0], $0xffff  }
0x13b: {  	v29 =	vadd.s32 $0x3, v46;
	v39 =	vsel vm0, v47, v39;
	vm0 =	vlt.f32 v26, v8;
	v23 =	vld.idx.msk [tilespmem:v23+s7+$0x0], $0xffff  }
0x13c: {  	v26 =	vadd.s32 $0x3, v39;
	v47 =	vsel vm0, v49, v40;
	vm0 =	vlt.f32 v28, v9;
	v28 =	vld.idx.msk [tilespmem:v31+s9+$0x0], $0xffff  }
0x13d: {  	v40 =	vadd.s32 $0x3, v47;
	v33 =	vsel vm0, v50, v42;
	vm0 =	vlt.f32 v30, v10  }
0x13e: {  	v42 =	vadd.s32 $0x3, v33;
	v31 =	vsel vm0, v51, v43;
	vm0 =	vlt.f32 v12, v11  }
0x13f: {  	v43 =	vadd.s32 $0x4, v2;
	v24 =	vsel vm0, v41, v45;
	v12 =	vld.idx.msk [tilespmem:v27+s9+$0x0], $0xffff;
	v27 =	vadd.s32 $0x3, v31;
	[tilespmem:s20+$0x0] =	vst v25  }
0x140: {  	v48 =	vadd.s32 $0x4, v46;
	v49 =	vadd.s32 $0x4, v39;
	v50 =	vadd.s32 $0x3, v24;
	v45 =	vld.idx.msk [tilespmem:v29+s9+$0x0], $0xffff;
	[tilespmem:s20+$0x10] =	vst v15  }
0x141: {  	v51 =	vadd.s32 $0x4, v47;
	v41 =	vadd.s32 $0x4, v33;
	v32 =	vadd.s32 $0x4, v31;
	v15 =	vld.idx.msk [tilespmem:v26+s9+$0x0], $0xffff;
	[tilespmem:s20+$0x30] =	vst v23;
	s20 =	smov.u32 s21  }
0x142: {  	v30 =	vadd.s32 $0x4, v24;
	vm0 =	vlt.f32 v28, v4;
	v23 =	vadd.s32 $0x2, v37;
	v52 =	vld.idx.msk [tilespmem:v40+s9+$0x0], $0xffff  }
0x143: {  	v26 =	vadd.s32 v17, v20;
	v37 =	vsel vm0, v23, v37;
	v40 =	vadd.s32 v18, v19;
	v53 =	vld.idx.msk [tilespmem:v42+s9+$0x0], $0xffff  }
0x144: {  	v25 =	vadd.s32 v13, v34;
	v29 =	vadd.s32 v44, v22;
	v42 =	vld.idx.msk [tilespmem:v27+s9+$0x0], $0xffff;
	v27 =	vadd.s32 v38, v21  }
.Ltmp3:
0x145: {  	v28 =	vadd.s32 v16, v35;
	v23 =	vadd.s32 v14, v36;
	vm0 =	vlt.f32 v12, v5;
	v38 =	vld.idx.msk [tilespmem:v50+s9+$0x0], $0xffff;
	(pc) =	sbr.rel @p1 .LBB2_7-.Ltmp3, $4  }
0x146: {  	v34 =	vadd.s32 $0x1, v40;
	v19 =	vsel vm0, v43, v2;
	vm0 =	vlt.f32 v45, v6  }
0x147: {  	v35 =	vadd.s32 $0x1, v19;
	v20 =	vsel vm0, v48, v46;
	vm0 =	vlt.f32 v15, v7  }
0x148: {  	v36 =	vadd.s32 $0x1, v20;
	v21 =	vsel vm0, v49, v39;
	vm0 =	vlt.f32 v52, v8;
	v43 =	vld.idx.msk [tilespmem:v37+s9+$0x0], $0xffff  }
0x149: {  	s26 =	sadd.s32 $0x80, s26;
	v39 =	vadd.s32 $0x1, v21;
	v22 =	vsel vm0, v51, v47;
	vm0 =	vlt.f32 v53, v9;
	v44 =	vld.idx.msk [tilespmem:v40+s9+$0x0], $0xffff  }
0x14a: {  	v12 =	vmov v10;
	v13 =	vmov v11  }
0x14b: {  	v18 =	vmovc v5;
	v17 =	vmovc v6;
	v16 =	vmov v7;
	v14 =	vmov v8;
	v15 =	vmov v9  }
.LBB2_9:
0x14c: {  	_ =	sdelay $0x3  }
0x14d: {  	v2 =	vld.idx.msk @p0 [tilespmem:v26+s9+$0x0], $0xffff  }
0x14e: {  	v5 =	vld.idx.msk @p0 [tilespmem:v27+s9+$0x0], $0xffff  }
0x14f: {  	v6 =	vld.idx.msk [tilespmem:v35+s9+$0x0], $0xffff  }
0x150: {  	v8 =	vld.idx.msk [tilespmem:v39+s9+$0x0], $0xffff  }
0x151: {  	v9 =	vld.idx.msk @p0 [tilespmem:v29+s9+$0x0], $0xffff  }
0x152: {  	v10 =	vld.idx.msk @p0 [tilespmem:v25+s9+$0x0], $0xffff;
	v51 =	vadd.s32 $0x1, v22  }
0x153: {  	v11 =	vld.idx.msk @p0 [tilespmem:v28+s9+$0x0], $0xffff  }
0x154: {  	v35 =	vld.idx.msk @p0 [tilespmem:v23+s9+$0x0], $0xffff  }
0x155: {  	vm1 =	vlt.f32 v43, v4;
	v4 =	vld.idx.msk [tilespmem:v36+s9+$0x0], $0xffff;
	[tilespmem:s24+$0xFFFFFFC0] =	vst @p0 v44  }
0x156: {  	v33 =	vsel vm0, v41, v33;
	v7 =	vsel vm1, $0x1, v3;
	[tilespmem:s24+$0xFFFFFFD0] =	vst @p0 v2;
	v2 =	vld.idx.msk @p0 [tilespmem:v40+s7+$0x0], $0xffff  }
0x157: {  	vm0 =	vlt.f32 v42, v12;
	v52 =	vadd.s32 $0x1, v33;
	v7 =	vadd.s32 v7, v37;
	v37 =	vld.idx.msk [tilespmem:v51+s9+$0x0], $0xffff  }
0x158: {  	v31 =	vsel vm0, v32, v31;
	[tilespmem:s24+$0xFFFFFFE0] =	vst @p0 v5;
	v5 =	vld.idx.msk @p0 [tilespmem:v26+s7+$0x0], $0xffff  }
0x159: {  	vm1 =	vlt.f32 v38, v13;
	v53 =	vadd.s32 $0x1, v31;
	[tilespmem:s24+$0xFFFFFFF0] =	vst @p0 v9;
	v9 =	vld.idx.msk @p0 [tilespmem:v27+s7+$0x0], $0xffff  }
0x15a: {  	v24 =	vsel vm1, v30, v24;
	[tilespmem:s24+$0x0] =	vst @p0 v10;
	v10 =	vld.idx.msk @p0 [tilespmem:v29+s7+$0x0], $0xffff  }
0x15b: {  	v54 =	vadd.s32 $0x1, v24;
	v38 =	vld.idx.msk @p0 [tilespmem:v25+s7+$0x0], $0xffff  }
0x15c: {  	vm0 =	vlt.f32 v6, v18;
	v6 =	vadd.s32 $0x2, v19;
	[tilespmem:s24+$0x10] =	vst @p0 v11;
	v32 =	vld.idx.msk [tilespmem:v52+s9+$0x0], $0xffff  }
0x15d: {  	v6 =	vsel vm0, v6, v19;
	v19 =	vld.idx.msk @p0 [tilespmem:v28+s7+$0x0], $0xffff  }
0x15e: {  	vm0 =	vlt.f32 v8, v16;
	v8 =	vadd.s32 $0x2, v21;
	v30 =	vld.idx.msk [tilespmem:v53+s9+$0x0], $0xffff  }
0x15f: {  	v8 =	vsel vm0, v8, v21;
	v50 =	vld.idx.msk [tilespmem:v7+s9+$0x0], $0xffff  }
0x160: {  	[tilespmem:s24+$0x30] =	vst @p0 v35;
	v11 =	vld.idx.msk [tilespmem:v54+s9+$0x0], $0xffff  }
0x161: {  	vm1 =	vlt.f32 v4, v17;
	v4 =	vadd.s32 $0x2, v20;
	v27 =	vadd.s32 @p0 $0x1, v27;
	[tilespmem:s22+$0xFFFFFFC0] =	vst @p0 v2;
	v2 =	vld.idx.msk @p0 [tilespmem:v23+s7+$0x0], $0xffff  }
0x162: {  	s25 =	sadd.s32 @p0 $0x80, s24;
	v4 =	vsel vm1, v4, v20;
	v20 =	vadd.s32 $0x2, v22;
	vm1 =	vlt.f32 v37, v14;
	v21 =	vld.idx.msk @p0 [tilespmem:v34+s7+$0x0], $0xffff  }
0x163: {  	s19 =	smov.u32 @p0 s25;
	v56 =	vadd.s32 $0x2, v33;
	vm0 =	vlt.f32 v32, v15;
	v20 =	vsel vm1, v20, v22;
	v58 =	vld.idx.msk [tilespmem:v6+s9+$0x0], $0xffff  }
0x164: {  	v22 =	vadd.s32 $0x2, v31;
	vm1 =	vlt.f32 v30, v12;
	v57 =	vsel vm0, v56, v33;
	v60 =	vld.idx.msk [tilespmem:v8+s9+$0x0], $0xffff;
	[tilespmem:s19+$0x20] =	vst v50  }
0x165: {  	[tilespmem:s22+$0xFFFFFFE0] =	vst @p0 v9;
	v22 =	vsel vm1, v22, v31;
	v55 =	vld.idx.msk [tilespmem:v7+s7+$0x0], $0xffff  }
0x166: {  	[tilespmem:s23+$0x10] =	vst @p0 v19;
	v19 =	vld.idx.msk @p0 [tilespmem:v27+s7+$0x0], $0xffff;
	v7 =	vadd.s32 $0x1, v7;
	vm0 =	vlt.f32 v11, v13;
	v11 =	vadd.s32 $0x2, v24  }
0x167: {  	v11 =	vsel vm0, v11, v24;
	v24 =	vld.idx.msk [tilespmem:v4+s9+$0x0], $0xffff  }
0x168: {  	s24 =	sadd.s32 @p0 $0x80, s22;
	[tilespmem:s22+$0xFFFFFFD0] =	vst @p0 v5;
	v5 =	vadd.s32 @p0 $0x1, v29;
	v61 =	vld.idx.msk [tilespmem:v20+s9+$0x0], $0xffff  }
0x169: {  	s18 =	smov.u32 @p0 s24;
	v9 =	vadd.s32 @p0 $0x1, v25;
	v62 =	vld.idx.msk [tilespmem:v57+s9+$0x0], $0xffff  }
0x16a: {  	v26 =	vadd.s32 @p0 $0x1, v26;
	v25 =	vld.idx.msk [tilespmem:v22+s9+$0x0], $0xffff;
	[tilespmem:s18+$0x20] =	vst v55  }
0x16b: {  	[tilespmem:s22+$0xFFFFFFF0] =	vst @p0 v10;
	v10 =	vadd.s32 @p0 $0x1, v28;
	vm0 =	vlt.f32 v58, v18;
	v7 =	vld.idx.msk [tilespmem:v7+s7+$0x0], $0xffff  }
0x16c: {  	v23 =	vadd.s32 @p0 $0x1, v23;
	[tilespmem:s22+$0x0] =	vst @p0 v38;
	v18 =	vld.idx.msk [tilespmem:v11+s9+$0x0], $0xffff;
	vm1 =	vlt.f32 v24, v17;
	v17 =	vsel vm0, $0x1, v3  }
0x16d: {  	[tilespmem:s23+$0x30] =	vst @p0 v2;
	v2 =	vld.idx.msk @p0 [tilespmem:v5+s7+$0x0], $0xffff;
	vm0 =	vlt.f32 v60, v16;
	v16 =	vsel vm1, $0x1, v3;
	v6 =	vadd.s32 v17, v6  }
0x16e: {  	v9 =	vld.idx.msk @p0 [tilespmem:v9+s7+$0x0], $0xffff;
	vm1 =	vlt.f32 v61, v14;
	v5 =	vsel vm0, $0x1, v3;
	v4 =	vadd.s32 v16, v4  }
0x16f: {  	s22 =	sadd.s32 @p0 $0x80, s21;
	[tilespmem:s21+$0xFFFFFFC0] =	vst @p0 v21;
	v24 =	vld.idx.msk @p0 [tilespmem:v26+s7+$0x0], $0xffff;
	v14 =	vsel vm1, $0x1, v3;
	v5 =	vadd.s32 v5, v8;
	vm1 =	vlt.f32 v25, v12  }
0x170: {  	s17 =	smov.u32 @p0 s22;
	[tilespmem:s20+$0xFFFFFFE0] =	vst @p0 v19;
	vm0 =	vlt.f32 v62, v15;
	v8 =	vld.idx.msk @p0 [tilespmem:v10+s7+$0x0], $0xffff;
	v10 =	vadd.s32 v14, v20;
	v12 =	vsel vm1, $0x1, v3  }
0x171: {  	[tilespmem:s17+$0x20] =	vst v7;
	v7 =	vsel vm0, $0x1, v3;
	vm0 =	vlt.f32 v18, v13;
	v13 =	vld.idx.msk @p0 [tilespmem:v23+s7+$0x0], $0xffff;
	v12 =	vadd.s32 v12, v22  }
0x172: {  	[tilespmem:s20+$0xFFFFFFF0] =	vst @p0 v2;
	v7 =	vadd.s32 v7, v57;
	v14 =	vsel vm0, $0x1, v3;
	v15 =	vld.idx.msk [tilespmem:v6+s9+$0x0], $0xffff  }
0x173: {  	[tilespmem:s20+$0x0] =	vst @p0 v9;
	v2 =	vadd.s32 v14, v11;
	v11 =	vld.idx.msk [tilespmem:v4+s9+$0x0], $0xffff  }
0x174: {  	[tilespmem:s20+$0xFFFFFFD0] =	vst @p0 v24;
	v9 =	vld.idx.msk [tilespmem:v5+s9+$0x0], $0xffff  }
0x175: {  	[tilespmem:s20+$0x10] =	vst @p0 v8;
	v8 =	vld.idx.msk [tilespmem:v10+s9+$0x0], $0xffff  }
0x176: {  	[tilespmem:s20+$0x30] =	vst @p0 v13;
	v14 =	vld.idx.msk [tilespmem:v12+s9+$0x0], $0xffff  }
0x177: {  	v13 =	vld.idx.msk [tilespmem:v7+s9+$0x0], $0xffff;
	[tilespmem:s19+$0xFFFFFFC0] =	vst v15  }
0x178: {  	[tilespmem:s19+$0xFFFFFFD0] =	vst v11;
	v11 =	vld.idx.msk [tilespmem:v2+s9+$0x0], $0xffff  }
0x179: {  	[tilespmem:s19+$0xFFFFFFE0] =	vst v9;
	v9 =	vld.idx.msk [tilespmem:v6+s7+$0x0], $0xffff  }
0x17a: {  	v15 =	vld.idx.msk [tilespmem:v4+s7+$0x0], $0xffff;
	[tilespmem:s19+$0xFFFFFFF0] =	vst v8  }
0x17b: {  	v6 =	vadd.s32 $0x1, v6;
	v8 =	vld.idx.msk [tilespmem:v5+s7+$0x0], $0xffff;
	[tilespmem:s19+$0x10] =	vst v14  }
0x17c: {  	v4 =	vadd.s32 $0x1, v4;
	[tilespmem:s19+$0x0] =	vst v13;
	v13 =	vld.idx.msk [tilespmem:v10+s7+$0x0], $0xffff  }
0x17d: {  	v5 =	vadd.s32 $0x1, v5;
	v14 =	vld.idx.msk [tilespmem:v7+s7+$0x0], $0xffff;
	[tilespmem:s19+$0x30] =	vst v11  }
0x17e: {  	v11 =	vld.idx.msk [tilespmem:v12+s7+$0x0], $0xffff;
	[tilespmem:s18+$0xFFFFFFC0] =	vst v9;
	v9 =	vadd.s32 $0x1, v10  }
0x17f: {  	v7 =	vadd.s32 $0x1, v7;
	[tilespmem:s18+$0xFFFFFFD0] =	vst v15;
	v10 =	vld.idx.msk [tilespmem:v2+s7+$0x0], $0xffff  }
0x180: {  	v6 =	vld.idx.msk [tilespmem:v6+s7+$0x0], $0xffff;
	[tilespmem:s18+$0xFFFFFFE0] =	vst v8;
	v8 =	vadd.s32 $0x1, v12  }
0x181: {  	v2 =	vadd.s32 $0x1, v2;
	v4 =	vld.idx.msk [tilespmem:v4+s7+$0x0], $0xffff;
	[tilespmem:s18+$0xFFFFFFF0] =	vst v13  }
0x182: {  	v5 =	vld.idx.msk [tilespmem:v5+s7+$0x0], $0xffff;
	[tilespmem:s18+$0x0] =	vst v14  }
0x183: {  	[tilespmem:s18+$0x10] =	vst v11;
	v9 =	vld.idx.msk [tilespmem:v9+s7+$0x0], $0xffff  }
0x184: {  	[tilespmem:s18+$0x30] =	vst v10;
	v7 =	vld.idx.msk [tilespmem:v7+s7+$0x0], $0xffff  }
0x185: {  	[tilespmem:s17+$0xFFFFFFC0] =	vst v6;
	v6 =	vld.idx.msk [tilespmem:v8+s7+$0x0], $0xffff  }
0x186: {  	[tilespmem:s17+$0xFFFFFFD0] =	vst v4;
	v2 =	vld.idx.msk [tilespmem:v2+s7+$0x0], $0xffff  }
0x187: {  	[tilespmem:s17+$0xFFFFFFE0] =	vst v5  }
0x188: {  	[tilespmem:s17+$0xFFFFFFF0] =	vst v9  }
0x189: {  	[tilespmem:s17+$0x0] =	vst v7  }
0x18a: {  	[tilespmem:s17+$0x10] =	vst v6  }
0x18b: {  	[tilespmem:s17+$0x30] =	vst v2  }
0x18c: {  	_ =	swait.ge [sflag:s10], $0x2000  }
0x18d: {  	[sflag:s10] =	ssyncset.done $0x0  }
0x18e: {  	s30 =	simm.s32 $0x40;
	[sflag:s10] =	ssyncadd.s32 $0xFFFFE000  }
0x18f: {  	v2 =	vld [tilespmem:s30+$0x30];
	_ =	sdelay $0x2  }
0x190: {  	v12 =	vld [tilespmem:s30+$0xFFFFFFD0];
	_ =	sdelay $0x1  }
0x191: {  	v11 =	vld [tilespmem:s30+$0xFFFFFFC0];
	v4 =	vadd.f32 $3.000000000e+00, v2  }
0x192: {  	v13 =	vld [tilespmem:s30+$0xFFFFFFE0]  }
0x193: {  	v4 =	vmul.f32 $1.706666720e+02, v4  }
0x194: {  	v6 =	vadd.f32 $3.000000000e+00, v12  }
0x195: {  	v4 =	vtrunc.f32 v4  }
0x196: {  	v5 =	vadd.f32 $3.000000000e+00, v11;
	v6 =	vmul.f32 $1.706666720e+02, v6;
	v4 =	vcvt.f32.s32 v4  }
0x197: {  	v7 =	vadd.f32 $3.000000000e+00, v13  }
0x198: {  	v5 =	vmul.f32 $1.706666720e+02, v5;
	v6 =	vtrunc.f32 v6;
	vm0 =	vgt.s32 v4, $0x0  }
0x199: {  	v14 =	vld [tilespmem:s30+$0xFFFFFFF0];
	v7 =	vmul.f32 $1.706666720e+02, v7;
	v6 =	vcvt.f32.s32 v6;
	v4 =	vnsel vm0, $0x0, v4  }
0x19a: {  	v15 =	vld [tilespmem:s30+$0x0];
	v5 =	vtrunc.f32 v5;
	v4 =	vmin.u32 v4, $0x3FF  }
0x19b: {  	v16 =	vld [tilespmem:s30+$0x10];
	v7 =	vtrunc.f32 v7;
	v5 =	vcvt.f32.s32 v5;
	vm1 =	vgt.s32 v6, $0x0  }
0x19c: {  	s31 =	simm.s32 $0xC0;
	v17 =	vld [tilespmem:s30+$0x20];
	v7 =	vcvt.f32.s32 v7;
	v6 =	vnsel vm1, $0x0, v6  }
0x19d: {  	v27 =	vld [tilespmem:s31+$0x30];
	vm0 =	vgt.s32 v5, $0x0;
	v19 =	vmin.u32 v6, $0x3FF  }
0x19e: {  	v9 =	vld [tilespmem:s31+$0xFFFFFFE0];
	v5 =	vnsel vm0, $0x0, v5;
	vm0 =	vgt.s32 v7, $0x0  }
0x19f: {  	v18 =	vmin.u32 v5, $0x3FF;
	v5 =	vnsel vm0, $0x0, v7;
	v20 =	vld.idx.msk [tilespmem:v4+s12+$0x0], $0xffff  }
0x1a0: {  	v21 =	vmin.u32 v5, $0x3FF;
	v5 =	vadd.f32 $3.000000000e+00, v15;
	v22 =	vld.idx.msk [tilespmem:v4+s11+$0x0], $0xffff  }
0x1a1: {  	v8 =	vadd.f32 $3.000000000e+00, v17;
	v7 =	vadd.f32 $3.000000000e+00, v16;
	v23 =	vld.idx.msk [tilespmem:v4+s13+$0x0], $0xffff  }
0x1a2: {  	v46 =	vadd.f32 $3.000000000e+00, v27;
	v6 =	vadd.f32 $3.000000000e+00, v14;
	v4 =	vmul.f32 $1.706666720e+02, v5;
	v25 =	vld.idx.msk [tilespmem:v19+s11+$0x0], $0xffff  }
0x1a3: {  	v5 =	vmul.f32 $1.706666720e+02, v7;
	v7 =	vmul.f32 $1.706666720e+02, v8;
	v8 =	vld [tilespmem:s31+$0xFFFFFFD0]  }
0x1a4: {  	v31 =	vmul.f32 $1.706666720e+02, v46;
	v6 =	vmul.f32 $1.706666720e+02, v6;
	v57 =	vld.idx.msk [tilespmem:v19+s12+$0x0], $0xffff  }
0x1a5: {  	v58 =	vld.idx.msk [tilespmem:v19+s13+$0x0], $0xffff  }
0x1a6: {  	v31 =	vtrunc.f32 v31;
	v6 =	vtrunc.f32 v6;
	v24 =	vld.idx.msk [tilespmem:v18+s11+$0x0], $0xffff  }
0x1a7: {  	v6 =	vcvt.f32.s32 v6;
	v54 =	vld.idx.msk [tilespmem:v18+s12+$0x0], $0xffff;
	v4 =	vtrunc.f32 v4  }
0x1a8: {  	v55 =	vld.idx.msk [tilespmem:v18+s13+$0x0], $0xffff;
	v5 =	vtrunc.f32 v5;
	v4 =	vcvt.f32.s32 v4  }
0x1a9: {  	v26 =	vld.idx.msk [tilespmem:v21+s11+$0x0], $0xffff;
	v7 =	vtrunc.f32 v7;
	v5 =	vcvt.f32.s32 v5  }
0x1aa: {  	vm0 =	vgt.s32 v6, $0x0;
	v60 =	vld.idx.msk [tilespmem:v21+s13+$0x0], $0xffff;
	v7 =	vcvt.f32.s32 v7;
	vm1 =	vgt.s32 v4, $0x0  }
0x1ab: {  	v6 =	vnsel vm0, $0x0, v6;
	vm0 =	vgt.s32 v5, $0x0;
	v10 =	vnsel vm1, $0x0, v4;
	v4 =	vld [tilespmem:s31+$0xFFFFFFF0]  }
0x1ac: {  	v63 =	vmin.u32 v6, $0x3FF;
	vm1 =	vgt.s32 v7, $0x0;
	v6 =	vnsel vm0, $0x0, v5;
	v5 =	vld [tilespmem:s31+$0x0]  }
0x1ad: {  	vm2 =	vlt.f32 v24, v11;
	v24 =	vcvt.f32.s32 v31;
	v45 =	vmin.u32 v6, $0x3FF;
	v6 =	vld [tilespmem:s31+$0x10]  }
0x1ae: {  	v48 =	vadd.f32 $3.000000000e+00, v9;
	v44 =	vmin.u32 v10, $0x3FF;
	v7 =	vnsel vm1, $0x0, v7;
	v10 =	vld [tilespmem:s31+$0xFFFFFFC0]  }
0x1af: {  	vm0 =	vlt.f32 v22, v2;
	v47 =	vmin.u32 v7, $0x3FF;
	v7 =	vld [tilespmem:s31+$0x20];
	vm1 =	vgt.s32 v24, $0x0  }
0x1b0: {  	v22 =	vadd.f32 $3.000000000e+00, v8;
	vm4 =	vlt.f32 v26, v13;
	v26 =	vld.idx.msk [tilespmem:v21+s12+$0x0], $0xffff;
	v24 =	vnsel vm1, $0x0, v24  }
0x1b1: {  	v33 =	vmul.f32 $1.706666720e+02, v48;
	v2 =	vld.idx.msk [tilespmem:v63+s11+$0x0], $0xffff;
	v24 =	vmin.u32 v24, $0x3FF  }
0x1b2: {  	vm5 =	vlt.f32 v25, v12;
	v22 =	vmul.f32 $1.706666720e+02, v22;
	v61 =	vld.idx.msk [tilespmem:v63+s12+$0x0], $0xffff  }
0x1b3: {  	v25 =	vtrunc.f32 v33;
	v11 =	vadd.f32 $3.000000000e+00, v4;
	v51 =	vadd.f32 $3.000000000e+00, v5;
	v49 =	vld.idx.msk [tilespmem:v44+s11+$0x0], $0xffff  }
0x1b4: {  	v22 =	vtrunc.f32 v22;
	v50 =	vld.idx.msk [tilespmem:v45+s11+$0x0], $0xffff;
	v53 =	vadd.f32 $3.000000000e+00, v6;
	v18 =	vadd.f32 $3.000000000e+00, v7  }
0x1b5: {  	v56 =	vadd.f32 $3.000000000e+00, v10;
	v52 =	vld.idx.msk [tilespmem:v47+s11+$0x0], $0xffff;
	v11 =	vmul.f32 $1.706666720e+02, v11;
	v35 =	vmul.f32 $1.706666720e+02, v51  }
0x1b6: {  	v12 =	vmul.f32 $1.706666720e+02, v53;
	vm3 =	vlt.f32 v2, v14;
	v13 =	vmul.f32 $1.706666720e+02, v18;
	v19 =	vld.idx.msk [tilespmem:v24+s12+$0x0], $0xffff  }
0x1b7: {  	v14 =	vsel vm0, v23, v20;
	v18 =	vmul.f32 $1.706666720e+02, v56;
	v2 =	vtrunc.f32 v11;
	v20 =	vld.idx.msk [tilespmem:v24+s11+$0x0], $0xffff  }
0x1b8: {  	v23 =	vsel vm2, v55, v54;
	v11 =	vtrunc.f32 v35;
	v21 =	vld.idx.msk [tilespmem:v24+s13+$0x0], $0xffff;
	v12 =	vtrunc.f32 v12  }
0x1b9: {  	v24 =	vld.idx.msk [tilespmem:v63+s13+$0x0], $0xffff;
	v63 =	vsel vm4, v60, v26;
	v2 =	vcvt.f32.s32 v2;
	v18 =	vtrunc.f32 v18  }
0x1ba: {  	v11 =	vcvt.f32.s32 v11;
	vm6 =	vlt.f32 v49, v15;
	v15 =	vcvt.f32.s32 v18  }
0x1bb: {  	v13 =	vtrunc.f32 v13;
	vm1 =	vlt.f32 v50, v16;
	v18 =	vcvt.f32.s32 v22  }
0x1bc: {  	v16 =	vcvt.f32.s32 v25;
	v12 =	vcvt.f32.s32 v12;
	vm7 =	vgt.s32 v15, $0x0  }
0x1bd: {  	v62 =	vld.idx.msk [tilespmem:v44+s13+$0x0], $0xffff;
	vm0 =	vlt.f32 v52, v17;
	vm8 =	vgt.s32 v18, $0x0;
	v15 =	vnsel vm7, $0x0, v15  }
0x1be: {  	v25 =	vld.idx.msk [tilespmem:v44+s12+$0x0], $0xffff;
	vm9 =	vgt.s32 v16, $0x0;
	v18 =	vnsel vm8, $0x0, v18;
	v17 =	vmin.u32 v15, $0x3FF  }
0x1bf: {  	s18 =	simm.s32 $0x2040;
	vm10 =	vlt.f32 v20, v27;
	v20 =	vld.idx.msk [tilespmem:v45+s13+$0x0], $0xffff;
	v15 =	vnsel vm9, $0x0, v16;
	v16 =	vmin.u32 v18, $0x3FF  }
0x1c0: {  	[tilespmem:s18+$0x30] =	vst v14;
	v13 =	vcvt.f32.s32 v13;
	v14 =	vsel vm10, v21, v19;
	v19 =	vld.idx.msk [tilespmem:v47+s12+$0x0], $0xffff;
	v15 =	vmin.u32 v15, $0x3FF  }
0x1c1: {  	vm13 =	vgt.s32 v2, $0x0;
	vm14 =	vgt.s32 v11, $0x0;
	vm15 =	vgt.s32 v12, $0x0;
	v18 =	vld.idx.msk [tilespmem:v45+s12+$0x0], $0xffff  }
0x1c2: {  	[tilespmem:s18+$0xFFFFFFC0] =	vst v23;
	v2 =	vnsel vm13, $0x0, v2;
	v11 =	vnsel vm14, $0x0, v11;
	vm11 =	vgt.s32 v13, $0x0;
	v21 =	vld.idx.msk [tilespmem:v47+s13+$0x0], $0xffff  }
0x1c3: {  	s17 =	simm.s32 $0x20C0;
	[tilespmem:s18+$0xFFFFFFE0] =	vst v63;
	v12 =	vnsel vm15, $0x0, v12;
	v26 =	vsel vm3, v24, v61;
	v27 =	vnsel vm11, $0x0, v13;
	v22 =	vld.idx.msk [tilespmem:v17+s11+$0x0], $0xffff  }
0x1c4: {  	v13 =	vmin.u32 v11, $0x3FF;
	[tilespmem:s17+$0x30] =	vst v14;
	v14 =	vmin.u32 v2, $0x3FF;
	v2 =	vsel vm5, v58, v57;
	v23 =	vld.idx.msk [tilespmem:v16+s11+$0x0], $0xffff  }
0x1c5: {  	s20 =	simm.s32 $0x140;
	s19 =	simm.s32 $0x8;
	v12 =	vmin.u32 v12, $0x3FF;
	v11 =	vmin.u32 v27, $0x3FF;
	v25 =	vsel vm6, v62, v25;
	[tilespmem:s18+$0xFFFFFFD0] =	vst v2;
	v24 =	vld.idx.msk [tilespmem:v15+s11+$0x0], $0xffff  }
.LBB2_10:
0x1c6: {  	v2 =	vld [tilespmem:s20+$0x30];
	[tilespmem:s18+$0xFFFFFFF0] =	vst v26;
	v18 =	vsel vm1, v20, v18  }
0x1c7: {  	s19 =	sadd.s32 $0x8, s19;
	v20 =	vld [tilespmem:s20+$0xFFFFFFD0];
	[tilespmem:s18+$0x0] =	vst v25  }
0x1c8: {  	p0 =	slt.u32 s19, $0x1F8;
	v25 =	vld [tilespmem:s20+$0xFFFFFFE0];
	[tilespmem:s18+$0x10] =	vst v18;
	v18 =	vsel vm0, v21, v19  }
0x1c9: {  	vm2 =	vlt.f32 v22, v10;
	v19 =	vld [tilespmem:s20+$0xFFFFFFF0];
	[tilespmem:s18+$0x20] =	vst v18;
	s18 =	smov.u32 s17  }
0x1ca: {  	vm3 =	vlt.f32 v23, v8;
	v18 =	vld [tilespmem:s20+$0x0]  }
0x1cb: {  	vm4 =	vlt.f32 v24, v9;
	v21 =	vld [tilespmem:s20+$0x10];
	v22 =	vadd.f32 $3.000000000e+00, v2  }
0x1cc: {  	v23 =	vadd.f32 $3.000000000e+00, v20;
	v24 =	vld [tilespmem:s20+$0x20];
	v8 =	vmov v20  }
0x1cd: {  	v10 =	vld [tilespmem:s20+$0xFFFFFFC0];
	v20 =	vadd.f32 $3.000000000e+00, v25;
	v22 =	vmul.f32 $1.706666720e+02, v22;
	v9 =	vmov v25  }
0x1ce: {  	v23 =	vmul.f32 $1.706666720e+02, v23;
	v25 =	vadd.f32 $3.000000000e+00, v19;
	v26 =	vld.idx.msk [tilespmem:v14+s11+$0x0], $0xffff  }
0x1cf: {  	v20 =	vmul.f32 $1.706666720e+02, v20;
	v27 =	vadd.f32 $3.000000000e+00, v18;
	v22 =	vtrunc.f32 v22;
	v28 =	vld.idx.msk [tilespmem:v13+s11+$0x0], $0xffff  }
0x1d0: {  	v25 =	vmul.f32 $1.706666720e+02, v25;
	v29 =	vadd.f32 $3.000000000e+00, v21;
	v22 =	vcvt.f32.s32 v22;
	v30 =	vld.idx.msk [tilespmem:v12+s11+$0x0], $0xffff  }
0x1d1: {  	v23 =	vtrunc.f32 v23;
	v27 =	vmul.f32 $1.706666720e+02, v27;
	v31 =	vadd.f32 $3.000000000e+00, v24;
	v32 =	vld.idx.msk [tilespmem:v11+s11+$0x0], $0xffff  }
0x1d2: {  	v33 =	vadd.f32 $3.000000000e+00, v10;
	v29 =	vmul.f32 $1.706666720e+02, v29;
	vm0 =	vgt.s32 v22, $0x0;
	v34 =	vld.idx.msk [tilespmem:v17+s12+$0x0], $0xffff  }
0x1d3: {  	v20 =	vtrunc.f32 v20;
	v31 =	vmul.f32 $1.706666720e+02, v31;
	v22 =	vnsel vm0, $0x0, v22;
	v35 =	vld.idx.msk [tilespmem:v17+s13+$0x0], $0xffff  }
0x1d4: {  	v25 =	vtrunc.f32 v25;
	v17 =	vmul.f32 $1.706666720e+02, v33;
	v22 =	vmin.u32 v22, $0x3FF;
	v33 =	vld.idx.msk [tilespmem:v16+s12+$0x0], $0xffff  }
0x1d5: {  	v27 =	vtrunc.f32 v27;
	vm5 =	vlt.f32 v26, v4;
	v4 =	vmovc v19;
	v29 =	vtrunc.f32 v29;
	v36 =	vld.idx.msk [tilespmem:v16+s13+$0x0], $0xffff  }
0x1d6: {  	vm6 =	vlt.f32 v28, v5;
	v5 =	vmovc v18;
	v16 =	vtrunc.f32 v17;
	v17 =	vtrunc.f32 v31;
	v26 =	vld.idx.msk [tilespmem:v15+s12+$0x0], $0xffff  }
0x1d7: {  	v18 =	vcvt.f32.s32 v23;
	vm1 =	vlt.f32 v30, v6;
	v6 =	vmovc v21;
	v16 =	vcvt.f32.s32 v16;
	v23 =	vld.idx.msk [tilespmem:v15+s13+$0x0], $0xffff  }
0x1d8: {  	v19 =	vcvt.f32.s32 v25;
	vm0 =	vlt.f32 v32, v7;
	v7 =	vmovc v24;
	v15 =	vcvt.f32.s32 v20;
	v25 =	vld.idx.msk [tilespmem:v14+s12+$0x0], $0xffff  }
0x1d9: {  	v21 =	vcvt.f32.s32 v29;
	v20 =	vcvt.f32.s32 v27;
	vm7 =	vgt.s32 v16, $0x0;
	v24 =	vld.idx.msk [tilespmem:v22+s12+$0x0], $0xffff  }
0x1da: {  	vm8 =	vgt.s32 v18, $0x0;
	v27 =	vcvt.f32.s32 v17;
	vm9 =	vgt.s32 v15, $0x0;
	v28 =	vld.idx.msk [tilespmem:v22+s11+$0x0], $0xffff  }
0x1db: {  	vm10 =	vgt.s32 v19, $0x0;
	vm12 =	vgt.s32 v21, $0x0;
	vm11 =	vgt.s32 v20, $0x0;
	v22 =	vld.idx.msk [tilespmem:v22+s13+$0x0], $0xffff  }
0x1dc: {  	v18 =	vnsel vm8, $0x0, v18;
	v16 =	vnsel vm7, $0x0, v16;
	vm7 =	vgt.s32 v27, $0x0;
	v29 =	vld.idx.msk [tilespmem:v14+s13+$0x0], $0xffff  }
0x1dd: {  	v19 =	vnsel vm10, $0x0, v19;
	v20 =	vnsel vm11, $0x0, v20;
	v14 =	vnsel vm9, $0x0, v15;
	v30 =	vld.idx.msk [tilespmem:v13+s12+$0x0], $0xffff  }
0x1de: {  	v21 =	vnsel vm12, $0x0, v21;
	v17 =	vmin.u32 v16, $0x3FF;
	v27 =	vnsel vm7, $0x0, v27;
	v31 =	vld.idx.msk [tilespmem:v13+s13+$0x0], $0xffff  }
0x1df: {  	v16 =	vmin.u32 v18, $0x3FF;
	v15 =	vmin.u32 v14, $0x3FF;
	v14 =	vmin.u32 v19, $0x3FF;
	v18 =	vld.idx.msk [tilespmem:v12+s12+$0x0], $0xffff  }
0x1e0: {  	v13 =	vmin.u32 v20, $0x3FF;
	vm7 =	vlt.f32 v28, v2;
	v20 =	vld.idx.msk [tilespmem:v12+s13+$0x0], $0xffff;
	v12 =	vmin.u32 v21, $0x3FF  }
.Ltmp4:
0x1e1: {  	s17 =	sadd.s32 $0x80, s17;
	v2 =	vmin.u32 v27, $0x3FF;
	v21 =	vsel vm7, v22, v24;
	v24 =	vsel vm2, v35, v34;
	v19 =	vld.idx.msk [tilespmem:v11+s12+$0x0], $0xffff;
	(pc) =	sbr.rel @p0 .LBB2_10-.Ltmp4, $4  }
0x1e2: {  	v27 =	vsel vm3, v36, v33;
	v28 =	vsel vm4, v23, v26;
	[tilespmem:s17+$0x30] =	vst v21;
	v21 =	vld.idx.msk [tilespmem:v11+s13+$0x0], $0xffff;
	v11 =	vmov v2  }
0x1e3: {  	v26 =	vsel vm5, v29, v25;
	v22 =	vld.idx.msk [tilespmem:v17+s11+$0x0], $0xffff;
	[tilespmem:s18+$0xFFFFFFC0] =	vst v24  }
0x1e4: {  	v25 =	vsel vm6, v31, v30;
	v23 =	vld.idx.msk [tilespmem:v16+s11+$0x0], $0xffff;
	[tilespmem:s18+$0xFFFFFFD0] =	vst v27  }
0x1e5: {  	s20 =	sadd.s32 $0x80, s20;
	v24 =	vld.idx.msk [tilespmem:v15+s11+$0x0], $0xffff;
	[tilespmem:s18+$0xFFFFFFE0] =	vst v28  }
0x1e6: {  	_ =	sdelay $0x3  }
0x1e7: {  	v2 =	vld.idx.msk [tilespmem:v14+s11+$0x0], $0xffff  }
0x1e8: {  	v27 =	vld.idx.msk [tilespmem:v13+s11+$0x0], $0xffff  }
0x1e9: {  	v28 =	vld.idx.msk [tilespmem:v12+s11+$0x0], $0xffff  }
0x1ea: {  	v29 =	vld.idx.msk [tilespmem:v11+s11+$0x0], $0xffff  }
0x1eb: {  	v30 =	vld.idx.msk [tilespmem:v17+s12+$0x0], $0xffff  }
0x1ec: {  	v51 =	vld.idx.msk [tilespmem:v17+s13+$0x0], $0xffff  }
0x1ed: {  	v31 =	vld.idx.msk [tilespmem:v16+s12+$0x0], $0xffff  }
0x1ee: {  	v52 =	vld.idx.msk [tilespmem:v16+s13+$0x0], $0xffff  }
0x1ef: {  	v32 =	vld.idx.msk [tilespmem:v15+s12+$0x0], $0xffff  }
0x1f0: {  	v53 =	vld.idx.msk [tilespmem:v15+s13+$0x0], $0xffff  }
0x1f1: {  	v33 =	vld.idx.msk [tilespmem:v14+s12+$0x0], $0xffff  }
0x1f2: {  	v54 =	vld.idx.msk [tilespmem:v14+s13+$0x0], $0xffff  }
0x1f3: {  	v34 =	vld.idx.msk [tilespmem:v13+s12+$0x0], $0xffff  }
0x1f4: {  	[tilespmem:s18+$0xFFFFFFF0] =	vst v26;
	v55 =	vld.idx.msk [tilespmem:v13+s13+$0x0], $0xffff  }
0x1f5: {  	v18 =	vsel vm1, v20, v18;
	[tilespmem:s18+$0x0] =	vst v25;
	v56 =	vld.idx.msk [tilespmem:v12+s12+$0x0], $0xffff  }
0x1f6: {  	v58 =	vld.idx.msk [tilespmem:v12+s13+$0x0], $0xffff;
	[tilespmem:s18+$0x10] =	vst v18;
	v57 =	vsel vm0, v21, v19;
	vm9 =	vlt.f32 v22, v10  }
0x1f7: {  	v61 =	vld.idx.msk [tilespmem:v11+s12+$0x0], $0xffff;
	[tilespmem:s18+$0x20] =	vst v57;
	vm10 =	vlt.f32 v23, v8;
	v60 =	vsel vm9, v51, v30  }
0x1f8: {  	v63 =	vld.idx.msk [tilespmem:v11+s13+$0x0], $0xffff;
	vm11 =	vlt.f32 v24, v9;
	v62 =	vsel vm10, v52, v31;
	[tilespmem:s17+$0xFFFFFFC0] =	vst v60  }
0x1f9: {  	vm12 =	vlt.f32 v2, v4;
	v2 =	vsel vm11, v53, v32;
	[tilespmem:s17+$0xFFFFFFD0] =	vst v62  }
0x1fa: {  	vm13 =	vlt.f32 v27, v5;
	v4 =	vsel vm12, v54, v33;
	[tilespmem:s17+$0xFFFFFFE0] =	vst v2  }
0x1fb: {  	vm14 =	vlt.f32 v28, v6;
	v2 =	vsel vm13, v55, v34;
	[tilespmem:s17+$0xFFFFFFF0] =	vst v4  }
0x1fc: {  	vm15 =	vlt.f32 v29, v7;
	v4 =	vsel vm14, v58, v56;
	[tilespmem:s17+$0x0] =	vst v2  }
0x1fd: {  	s16 =	sadd.s32 $0x1, s16;
	v2 =	vsel vm15, v63, v61;
	[tilespmem:s17+$0x10] =	vst v4  }
0x1fe: {  	p0 =	sne.s32 s16, s6;
	[tilespmem:s17+$0x20] =	vst v2  }
0x1ff: {  	[hbm4b:s5+s3] =	stream.linear.scatter [tilespmem:s14], [sflag:$0x3], $0x2000, $0x38;
	[tilespmem:$0x4E80] =	vst v63  }
.Ltmp5:
0x200: {  	_ = 	snop;
	(pc) =	sbr.rel @p0 .LBB2_1-.Ltmp5, $4  }
.Ltmp6:
0x201: {  	_ = 	snop;
	(pc) =	sbr.rel @!p0 .LBB2_12-.Ltmp6, $4  }
0x202: {  	_ =	swait.ge [sflag:s15], $0x2000  }
0x203: {  	[sflag:s15] =	ssyncset.done $0x0  }
0x204: {  	[sflag:s15] =	ssyncadd.s32 $0xFFFFE000  }
0x205: {  	_ = 	snop  }
.LBB2_4:
.Ltmp7:
0x206: {  	(pc) =	sbr.rel .LBB2_9-.Ltmp7, $2  }
0x207: {  	_ =	sdelay $0x2  }
0x208: {  	s24 =	simm.s32 $0x42C0;
	s22 =	simm.s32 $0x46C0;
	s21 =	simm.s32 $0x4AC0  }
.LBB2_6:
.Ltmp8:
0x209: {  	(pc) =	sbr.rel .LBB2_9-.Ltmp8, $3  }
0x20a: {  	_ =	sdelay $0x1  }
0x20b: {  	s24 =	simm.s32 $0x42C0;
	s22 =	simm.s32 $0x46C0;
	v12 =	vmov v10;
	v13 =	vmov v11  }
0x20c: {  	s23 =	simm.s32 $0x46C0;
	s21 =	simm.s32 $0x4AC0;
	v18 =	vmovc v5;
	v17 =	vmovc v6;
	v16 =	vmov v7;
	v14 =	vmov v8;
	v15 =	vmov v9;
	s20 =	simm.s32 $0x4AC0  }
.LBB2_12:
0x20d: {  	_ =	sfence.sel $0x180000  }
0x20e: {  	[bflag:$0x0] =	sbarrier.arrive $0xFFFF  }
0x20f: {  	p0 =	sne.s32 s2, $0x0;
	_ =	strace $0x90000047  }
0x210: {  	s0 =	sadd.s32 @!p0 $0x100000, s0;
	[bflag:$0x2] =	sbarrier.arrive $0xFFFF  }
0x211: {  	[sflag:s0] =	ssyncadd.tile.s32 @!p0 $0x1;
	_ =	shalt  }
.Lfunc_end2:
_tile_overlayer_lowered:
.L_overlay_start_2:
0x212: {  	(tag) =	ssettag $0x2  }
0x213: {  	s0 =	rddreg [dreg:$0x0];
	s2 =	stileid.u32  }
0x214: {  	s1 =	rddreg [dreg:$0x1];
	p0 =	sne.s32 s2, $0x0  }
0x215: {  	s3 =	rddreg [dreg:$0x2];
	[bflag:$0x3] =	sbarrier.arrive $0xFFFF;
	s2 =	simm.s32 @!p0 $0x1C03  }
0x216: {  	[timem:s3], [sflag:s2] =	dma.local @!p0 [hbm:s0], s1  }
0x217: {  	s0 =	simm.s32 @!p0 $0x3  }
0x218: {  	_ =	swait.ge @!p0 [sflag:s0], s1  }
0x219: {  	s1 =	ssub.s32 @!p0 $0x0, s1;
	[sflag:s0] =	ssyncset.done @!p0 $0x0  }
0x21a: {  	[sflag:s0] =	ssyncadd.s32 @!p0 s1  }
0x21b: {  	[bflag:$0x3] =	sbarrier.arrive $0xFFFF  }
0x21c: {  	_ =	shalt  }

</sc_bundles>
